<compile_context>
chip_gen: v7x
topology: tpu7x:2x2x1
jax: 0.10.2.dev20260603
libtpu: 0.0.44.dev20260713+nightly
codegen_flags: <defaults>
</compile_context>

<pallas_src>
import dataclasses

import jax
import jax.numpy as jnp
from jax.experimental import pallas as pl
from jax.experimental.pallas import tpu as pltpu
from jax.experimental.pallas import tpu_sc as plsc

N_NODES = 100000
D = 128
E = 1024
RT = 10000
NBT = N_NODES // RT
WC = 128
CH = 128
NSUB = 32
SEG_PER = E // NSUB
LANES = 16
EPAD = E + WC


def _mm_body(ev_ref, x_ref, wpre_ref, bpre_ref, o_ref, cnt_ref, cnt_scr):
    i = pl.program_id(0)

    @pl.when(i == 0)
    def _init():
        cnt_scr[...] = jnp.zeros_like(cnt_scr)

    xb = x_ref[0].astype(jnp.bfloat16)
    wb = wpre_ref[...].astype(jnp.bfloat16)
    pre = jax.lax.dot_general(xb, wb, (((1,), (0,)), ((), ())),
                              preferred_element_type=jnp.float32)
    o_ref[0] = jnp.maximum(pre + bpre_ref[...], 0.0)

    first = ev_ref[0, 0, 0]
    last = ev_ref[0, 0, RT - 1]
    base = first - first % 8
    n_win = (last - base) // WC + 1
    ev16 = ev_ref[0, 0, :].astype(jnp.int16)
    iota = jax.lax.broadcasted_iota(jnp.int16, (WC, RT), 0)

    def _one_window(w, _):
        ws = base + w * WC
        ev_rel = ev16 - ws.astype(jnp.int16)
        oh = iota == jnp.broadcast_to(ev_rel[None, :], (WC, RT))
        cnt_scr[pl.ds(ws, WC), :] += jnp.sum(
            oh.astype(jnp.float32), axis=1, keepdims=True)
        return 0

    jax.lax.fori_loop(0, n_win, _one_window, 0)

    @pl.when(i == NBT - 1)
    def _fin():
        cnt_ref[...] = cnt_scr[:E, :]


def _pre_nn(x, ev3, W_pre, b_pre):
    return pl.pallas_call(
        _mm_body,
        grid=(NBT,),
        in_specs=[
            pl.BlockSpec((1, 1, RT), lambda i: (i, 0, 0)),
            pl.BlockSpec((1, RT, D), lambda i: (i, 0, 0)),
            pl.BlockSpec((D, D), lambda i: (0, 0)),
            pl.BlockSpec((1, D), lambda i: (0, 0)),
        ],
        out_specs=[
            pl.BlockSpec((1, RT, D), lambda i: (i, 0, 0)),
            pl.BlockSpec((E, 1), lambda i: (0, 0)),
        ],
        out_shape=[
            jax.ShapeDtypeStruct((NBT + 1, RT, D), jnp.float32),
            jax.ShapeDtypeStruct((E, 1), jnp.float32),
        ],
        scratch_shapes=[pltpu.VMEM((EPAD, 1), jnp.float32)],
    )(ev3, x.reshape(NBT, RT, D), W_pre, b_pre.reshape(1, D))


def _sc_scatter(ftx, ev2, bounds):
    vector_mesh = plsc.VectorSubcoreMesh(
        core_axis_name="core", subcore_axis_name="subcore")

    cp = pltpu.CompilerParams()
    if "needs_layout_passes" in pltpu.CompilerParams.__dataclass_fields__:
        cp = dataclasses.replace(cp, needs_layout_passes=False)

    @pl.kernel(
        out_type=jax.ShapeDtypeStruct((E, D), jnp.float32),
        mesh=vector_mesh,
        compiler_params=cp,
        scratch_types=[
            pltpu.VMEM((CH, D), jnp.float32),
            pltpu.VMEM((1, CH), jnp.int32),
            pltpu.VMEM((1, CH), jnp.int32),
            pltpu.VMEM((SEG_PER, D), jnp.float32),
            pltpu.VMEM((1, 4 * LANES), jnp.int32),
            pltpu.VMEM_SHARED((E + NSUB, D), jnp.float32),
            pltpu.SemaphoreType.DMA,
            pltpu.SemaphoreType.DMA,
        ],
    )
    def kern(ftx_hbm, ev_hbm, bounds_hbm, gsum_hbm,
             buf, idx_buf, ev_buf, zslab, bnd, acc, sem0, sem1):
        cid = jax.lax.axis_index("core")
        sid = jax.lax.axis_index("subcore")
        k = cid * 16 + sid

        cp_b = pltpu.make_async_copy(bounds_hbm, bnd, sem0)
        cp_b.start()

        zero = jnp.zeros((LANES,), jnp.float32)

        @pl.loop(0, SEG_PER)
        def _z(r):
            @pl.loop(0, D // LANES)
            def _zc(c):
                zslab[r, pl.ds(c * LANES, LANES)] = zero

        cp_b.wait()
        iota = jax.lax.iota(jnp.int32, LANES)
        kl = jax.lax.rem(k, 16)
        s0 = bnd[0, pl.ds(0, LANES)]
        s1 = bnd[0, pl.ds(LANES, LANES)]
        e0 = bnd[0, pl.ds(2 * LANES, LANES)]
        e1 = bnd[0, pl.ds(3 * LANES, LANES)]

        def _pick(v):
            return jnp.sum(jnp.where(iota == kl, v, 0))

        start = jnp.where(k < 16, _pick(s0), _pick(s1))
        end = jnp.where(k < 16, _pick(e0), _pick(e1))
        start_al = start - start % CH
        nch = (end - start_al + CH - 1) // CH

        cp_z1 = pltpu.make_async_copy(
            zslab, acc.at[pl.ds(k * SEG_PER, SEG_PER), :], sem0)
        cp_z1.start()
        cp_z1.wait()
        cp_d1 = pltpu.make_async_copy(
            zslab.at[pl.ds(0, 1), :], acc.at[pl.ds(E + k, 1), :], sem0)
        cp_d1.start()
        cp_d1.wait()

        @pl.loop(0, nch)
        def _chunk(c):
            s_c = pl.multiple_of(start_al + c * CH, CH)
            cp_x = pltpu.make_async_copy(
                ftx_hbm.at[pl.ds(s_c, CH), :], buf, sem0)
            cp_e = pltpu.make_async_copy(
                ev_hbm.at[0, pl.ds(s_c, CH)], ev_buf.at[0], sem1)
            cp_x.start()
            cp_e.start()
            cp_x.wait()
            cp_e.wait()

            @pl.loop(0, CH // LANES)
            def _g(g):
                gvec = iota + (s_c + g * LANES)
                evv = ev_buf[0, pl.ds(g * LANES, LANES)]
                valid = (gvec >= start) & (gvec < end)
                idx_buf[0, pl.ds(g * LANES, LANES)] = jnp.where(
                    valid, evv, E + k)

            cp_s = pltpu.make_async_copy(
                buf, acc.at[idx_buf.at[0]], sem0)
            cp_s.start(add=True)
            cp_s.wait()

        cp_out = pltpu.make_async_copy(
            acc.at[pl.ds(k * SEG_PER, SEG_PER), :],
            gsum_hbm.at[pl.ds(k * SEG_PER, SEG_PER), :], sem0)
        cp_out.start()
        cp_out.wait()

    return kern(ftx, ev2, bounds)


def _finish_body(gsum_ref, cnt_ref, wpost_ref, bpost_ref, out_ref):
    gsum = gsum_ref[...]
    gmean = gsum * (1.0 / jnp.maximum(cnt_ref[...], 1.0))
    w1 = wpost_ref[:D, :]
    w2 = wpost_ref[D:, :]
    out_ref[...] = (
        jax.lax.dot_general(gsum, w1, (((1,), (0,)), ((), ())),
                            preferred_element_type=jnp.float32)
        + jax.lax.dot_general(gmean, w2, (((1,), (0,)), ((), ())),
                              preferred_element_type=jnp.float32)
        + bpost_ref[...])


def kernel(x, event, W_pre, b_pre, W_post, b_post):
    ev = event.astype(jnp.int32)
    ftx, cnt = _pre_nn(x, ev.reshape(NBT, 1, RT), W_pre, b_pre)
    seg_edges = jnp.arange(0, E + 1, SEG_PER, dtype=jnp.int32)
    b33 = jnp.searchsorted(ev, seg_edges, side="left").astype(jnp.int32)
    bounds = jnp.concatenate([b33[:NSUB], b33[1:NSUB + 1]]).reshape(1, 64)
    ev_pad = jnp.concatenate([ev, jnp.zeros((RT,), jnp.int32)])
    gsum = _sc_scatter(ftx.reshape((NBT + 1) * RT, D),
                       ev_pad.reshape(1, N_NODES + RT), bounds)
    return pl.pallas_call(
        _finish_body,
        grid=(1,),
        in_specs=[
            pl.BlockSpec((E, D), lambda i: (0, 0)),
            pl.BlockSpec((E, 1), lambda i: (0, 0)),
            pl.BlockSpec((2 * D, D), lambda i: (0, 0)),
            pl.BlockSpec((1, D), lambda i: (0, 0)),
        ],
        out_specs=pl.BlockSpec((E, D), lambda i: (0, 0)),
        out_shape=jax.ShapeDtypeStruct((E, D), jnp.float32),
    )(gsum, cnt, W_post, b_post.reshape(1, D))

# --- scband reference (transcript-rebuilt; emitter-appended) ---
"""Pipeline reference for scband-dyn-hlvs-layer-68874095558727 (READ-ONLY COPY).

The authoritative reference and input builder live on the scoring server;
editing this copy changes nothing except your own understanding.
"""

import jax, jax.numpy as jnp
import numpy as np

N_NODES = 100000
D_FEAT = 128
N_EVENTS = 1024

def setup_inputs(seed: int = 0) -> dict:
    key = jax.random.key(seed)
    k1, k2, k3, k4 = jax.random.split(key, 4)
    x = jax.random.normal(k1, (N_NODES, D_FEAT), dtype=jnp.float32)
    event = jnp.sort(jax.random.randint(k2, (N_NODES,), 0, N_EVENTS, dtype=jnp.int64))
    W_pre = jax.random.normal(k3, (D_FEAT, D_FEAT), dtype=jnp.float32) * (1.0 / np.sqrt(D_FEAT))
    b_pre = jnp.zeros((D_FEAT,), dtype=jnp.float32)
    W_post = jax.random.normal(k4, (2 * D_FEAT, D_FEAT), dtype=jnp.float32) * (1.0 / np.sqrt(2 * D_FEAT))
    b_post = jnp.zeros((D_FEAT,), dtype=jnp.float32)
    return {"x": x, "event": event, "W_pre": W_pre, "b_pre": b_pre, "W_post": W_post, "b_post": b_post}

def reference(x, event, W_pre, b_pre, W_post, b_post):
    # pre_nn: Linear + ReLU
    ftx_mtx = jax.nn.relu(x @ W_pre + b_pre)
    # global_add_pool: segment sum over event ids
    gsum = jax.ops.segment_sum(ftx_mtx, event, num_segments=N_EVENTS)
    # global_mean_pool: segment sum / per-event node counts
    counts = jax.ops.segment_sum(jnp.ones((ftx_mtx.shape[0],), dtype=jnp.float32), event, num_segments=N_EVENTS)
    gmean = gsum / jnp.maximum(counts, 1.0)[:, None]
    # post_nn: Linear on hstack([gsum, gmean])
    global_ftx = jnp.concatenate([gsum, gmean], axis=1) @ W_post + b_post
    return global_ftx

if __name__ == "__main__":
    import jax
    _d = setup_inputs()
    print(jax.jit(kernel)(*tuple(_d.values())))

</pallas_src>

<mosaic_0001>
#map = affine_map<(d0, d1) -> (0, 0)>
module attributes {stable_mosaic.version = 14 : i64} {
  func.func @kern(%arg0: i32, %arg1: i32, %arg2: memref<110000x128xf32, #tpu.memory_space<hbm>>, %arg3: memref<1x110000xi32, #tpu.memory_space<hbm>>, %arg4: memref<1x64xi32, #tpu.memory_space<hbm>>, %arg5: memref<1024x128xf32, #tpu.memory_space<hbm>>, %arg6: memref<128x128xf32, #tpu.memory_space<vmem>>, %arg7: memref<1x128xi32, #tpu.memory_space<vmem>>, %arg8: memref<1x128xi32, #tpu.memory_space<vmem>>, %arg9: memref<32x128xf32, #tpu.memory_space<vmem>>, %arg10: memref<1x64xi32, #tpu.memory_space<vmem>>, %arg11: memref<1056x128xf32, #tpu.memory_space<vmem_shared>>, %arg12: memref<!tpu.dma_semaphore, #tpu.memory_space<semaphore_mem>>, %arg13: memref<!tpu.dma_semaphore, #tpu.memory_space<semaphore_mem>>) attributes {dimension_semantics = [#tpu.dimension_semantics<core_parallel>, #tpu.dimension_semantics<subcore_parallel>], iteration_bounds = array<i64: 2, 16>, scalar_prefetch = 0 : i64, scratch_operands = 8 : i64, tpu.core_type = #tpu.core_type<sc_vector_subcore>, window_params = [{transform_indices = #map}, {transform_indices = #map}, {transform_indices = #map}, {transform_indices = #map}]} {
    %mul3A = arith.constant 16 : i32
    %mul3A_0 = arith.muli %arg0, %mul3A : i32
    %add3A = arith.addi %mul3A_0, %arg1 : i32
    tpu.enqueue_dma source(%arg4 : memref<1x64xi32, #tpu.memory_space<hbm>>) target(%arg10 : memref<1x64xi32, #tpu.memory_space<vmem>>) target_semaphore(%arg12 : memref<!tpu.dma_semaphore, #tpu.memory_space<semaphore_mem>>)
    %broadcast_in_dim3A = arith.constant 0.000000e+00 : f32
    %broadcast_in_dim3A_1 = vector.broadcast %broadcast_in_dim3A : f32 to vector<16xf32>
    %scan3A = arith.constant 0 : i32
    %scan3A_2 = arith.constant 32 : i32
    %scan3A_3 = arith.addi %scan3A, %scan3A_2 : i32
    %scan3A_4 = arith.constant 1 : i32
    scf.for %scan3A_160 = %scan3A to %scan3A_3 step %scan3A_4  : i32 {
      %mul3A_161 = arith.constant 1 : i32
      %mul3A_162 = arith.muli %scan3A_160, %mul3A_161 : i32
      %add3A_163 = arith.constant 0 : i32
      %add3A_164 = arith.addi %add3A_163, %mul3A_162 : i32
      %scan3A_165 = arith.constant 0 : i32
      %scan3A_166 = arith.constant 8 : i32
      %scan3A_167 = arith.addi %scan3A_165, %scan3A_166 : i32
      %scan3A_168 = arith.constant 1 : i32
      scf.for %scan3A_170 = %scan3A_165 to %scan3A_167 step %scan3A_168  : i32 {
        %mul3A_171 = arith.constant 1 : i32
        %mul3A_172 = arith.muli %scan3A_170, %mul3A_171 : i32
        %add3A_173 = arith.constant 0 : i32
        %add3A_174 = arith.addi %add3A_173, %mul3A_172 : i32
        %mul3A_175 = arith.constant 16 : i32
        %mul3A_176 = arith.muli %add3A_174, %mul3A_175 : i32
        %swap3A = arith.index_cast %add3A_164 : i32 to index
        %swap3A_177 = arith.index_cast %mul3A_176 : i32 to index
        %swap3A_178 = tpu.vector_load %arg9[%swap3A, %swap3A_177] {strides = array<i32>} : memref<32x128xf32, #tpu.memory_space<vmem>>, vector<16xf32>,
        tpu.vector_store %arg9[%swap3A, %swap3A_177], %broadcast_in_dim3A_1 {strides = array<i32>} : memref<32x128xf32, #tpu.memory_space<vmem>>, vector<16xf32>,
      }
      %scan3A_169 = arith.constant 8 : i32
    }
    %scan3A_5 = arith.constant 32 : i32
    tpu.wait_dma2 semaphore(%arg12 : memref<!tpu.dma_semaphore, #tpu.memory_space<semaphore_mem>>) src(%arg4 : memref<1x64xi32, #tpu.memory_space<hbm>>) dst(%arg10 : memref<1x64xi32, #tpu.memory_space<vmem>>)
    %iota3A = tpu.iota {dimensions = array<i32: 0>} : vector<16xi32>
    %rem3A = arith.constant 16 : i32
    %rem3A_6 = arith.remsi %add3A, %rem3A : i32
    %get3A = arith.constant 0 : i32
    %get3A_7 = arith.index_cast %get3A : i32 to index
    %get3A_8 = arith.constant 0 : index
    %get3A_9 = tpu.vector_load %arg10[%get3A_7, %get3A_8] {strides = array<i32>} : memref<1x64xi32, #tpu.memory_space<vmem>>, vector<16xi32>,
    %get3A_10 = arith.constant 0 : i32
    %get3A_11 = arith.index_cast %get3A_10 : i32 to index
    %get3A_12 = arith.constant 16 : index
    %get3A_13 = tpu.vector_load %arg10[%get3A_11, %get3A_12] {strides = array<i32>} : memref<1x64xi32, #tpu.memory_space<vmem>>, vector<16xi32>,
    %get3A_14 = arith.constant 0 : i32
    %get3A_15 = arith.index_cast %get3A_14 : i32 to index
    %get3A_16 = arith.constant 32 : index
    %get3A_17 = tpu.vector_load %arg10[%get3A_15, %get3A_16] {strides = array<i32>} : memref<1x64xi32, #tpu.memory_space<vmem>>, vector<16xi32>,
    %get3A_18 = arith.constant 0 : i32
    %get3A_19 = arith.index_cast %get3A_18 : i32 to index
    %get3A_20 = arith.constant 48 : index
    %get3A_21 = tpu.vector_load %arg10[%get3A_19, %get3A_20] {strides = array<i32>} : memref<1x64xi32, #tpu.memory_space<vmem>>, vector<16xi32>,
    %lt3A = arith.constant 16 : i32
    %lt3A_22 = arith.cmpi slt, %add3A, %lt3A : i32
    %eq3A = vector.broadcast %rem3A_6 : i32 to vector<16xi32>
    %eq3A_23 = arith.cmpi eq, %iota3A, %eq3A : vector<16xi32>
    %jit3A = arith.constant 0 : i32
    %broadcast_in_dim3A_24 = vector.broadcast %jit3A : i32 to vector<16xi32>
    %select_n3A = arith.select %eq3A_23, %get3A_9, %broadcast_in_dim3A_24 : vector<16xi1>, vector<16xi32>
    %reduce_sum3A = arith.constant true
    %reduce_sum3A_25 = vector.broadcast %reduce_sum3A : i1 to vector<16xi1>
    %reduce_sum3A_26 = tpu.scan <sum>, %select_n3A masked %reduce_sum3A_25 : vector<16xi32>, vector<16xi1> -> vector<16xi32>
    %reduce_sum3A_27 = vector.extract %reduce_sum3A_26[15] : i32 from vector<16xi32>
    %eq3A_28 = vector.broadcast %rem3A_6 : i32 to vector<16xi32>
    %eq3A_29 = arith.cmpi eq, %iota3A, %eq3A_28 : vector<16xi32>
    %jit3A_30 = arith.constant 0 : i32
    %broadcast_in_dim3A_31 = vector.broadcast %jit3A_30 : i32 to vector<16xi32>
    %select_n3A_32 = arith.select %eq3A_29, %get3A_13, %broadcast_in_dim3A_31 : vector<16xi1>, vector<16xi32>
    %reduce_sum3A_33 = arith.constant true
    %reduce_sum3A_34 = vector.broadcast %reduce_sum3A_33 : i1 to vector<16xi1>
    %reduce_sum3A_35 = tpu.scan <sum>, %select_n3A_32 masked %reduce_sum3A_34 : vector<16xi32>, vector<16xi1> -> vector<16xi32>
    %reduce_sum3A_36 = vector.extract %reduce_sum3A_35[15] : i32 from vector<16xi32>
    %select_n3A_37 = arith.select %lt3A_22, %reduce_sum3A_27, %reduce_sum3A_36 : i32
    %lt3A_38 = arith.constant 16 : i32
    %lt3A_39 = arith.cmpi slt, %add3A, %lt3A_38 : i32
    %eq3A_40 = vector.broadcast %rem3A_6 : i32 to vector<16xi32>
    %eq3A_41 = arith.cmpi eq, %iota3A, %eq3A_40 : vector<16xi32>
    %jit3A_42 = arith.constant 0 : i32
    %broadcast_in_dim3A_43 = vector.broadcast %jit3A_42 : i32 to vector<16xi32>
    %select_n3A_44 = arith.select %eq3A_41, %get3A_17, %broadcast_in_dim3A_43 : vector<16xi1>, vector<16xi32>
    %reduce_sum3A_45 = arith.constant true
    %reduce_sum3A_46 = vector.broadcast %reduce_sum3A_45 : i1 to vector<16xi1>
    %reduce_sum3A_47 = tpu.scan <sum>, %select_n3A_44 masked %reduce_sum3A_46 : vector<16xi32>, vector<16xi1> -> vector<16xi32>
    %reduce_sum3A_48 = vector.extract %reduce_sum3A_47[15] : i32 from vector<16xi32>
    %eq3A_49 = vector.broadcast %rem3A_6 : i32 to vector<16xi32>
    %eq3A_50 = arith.cmpi eq, %iota3A, %eq3A_49 : vector<16xi32>
    %jit3A_51 = arith.constant 0 : i32
    %broadcast_in_dim3A_52 = vector.broadcast %jit3A_51 : i32 to vector<16xi32>
    %select_n3A_53 = arith.select %eq3A_50, %get3A_21, %broadcast_in_dim3A_52 : vector<16xi1>, vector<16xi32>
    %reduce_sum3A_54 = arith.constant true
    %reduce_sum3A_55 = vector.broadcast %reduce_sum3A_54 : i1 to vector<16xi1>
    %reduce_sum3A_56 = tpu.scan <sum>, %select_n3A_53 masked %reduce_sum3A_55 : vector<16xi32>, vector<16xi1> -> vector<16xi32>
    %reduce_sum3A_57 = vector.extract %reduce_sum3A_56[15] : i32 from vector<16xi32>
    %select_n3A_58 = arith.select %lt3A_39, %reduce_sum3A_48, %reduce_sum3A_57 : i32
    %jit3A_59 = arith.constant 128 : i32
    %eq3A_60 = arith.constant 0 : i32
    %eq3A_61 = arith.cmpi eq, %jit3A_59, %eq3A_60 : i32
    %jit3A_62 = arith.constant 1 : i32
    %select_n3A_63 = arith.select %eq3A_61, %jit3A_62, %jit3A_59 : i32
    %rem3A_64 = arith.remsi %select_n3A_37, %select_n3A_63 : i32
    %ne3A = arith.constant 0 : i32
    %ne3A_65 = arith.cmpi ne, %rem3A_64, %ne3A : i32
    %lt3A_66 = arith.constant 0 : i32
    %lt3A_67 = arith.cmpi slt, %rem3A_64, %lt3A_66 : i32
    %lt3A_68 = arith.constant 0 : i32
    %lt3A_69 = arith.cmpi slt, %select_n3A_63, %lt3A_68 : i32
    %ne3A_70 = arith.xori %lt3A_67, %lt3A_69 : i1
    %and3A = arith.andi %ne3A_70, %ne3A_65 : i1
    %add3A_71 = arith.addi %rem3A_64, %select_n3A_63 : i32
    %select_n3A_72 = arith.select %and3A, %add3A_71, %rem3A_64 : i32
    %sub3A = arith.subi %select_n3A_37, %select_n3A_72 : i32
    %sub3A_73 = arith.subi %select_n3A_58, %sub3A : i32
    %add3A_74 = arith.constant 128 : i32
    %add3A_75 = arith.addi %sub3A_73, %add3A_74 : i32
    %sub3A_76 = arith.constant 1 : i32
    %sub3A_77 = arith.subi %add3A_75, %sub3A_76 : i32
    %jit3A_78 = arith.constant 128 : i32
    %div3A = arith.divsi %sub3A_77, %jit3A_78 : i32
    %sign3A = arith.constant 0 : i32
    %sign3A_79 = arith.cmpi sgt, %sub3A_77, %sign3A : i32
    %sign3A_80 = arith.extui %sign3A_79 : i1 to i32
    %sign3A_81 = arith.constant 0 : i32
    %sign3A_82 = arith.cmpi slt, %sub3A_77, %sign3A_81 : i32
    %sign3A_83 = arith.extui %sign3A_82 : i1 to i32
    %sign3A_84 = arith.subi %sign3A_80, %sign3A_83 : i32
    %sign3A_85 = arith.constant 0 : i32
    %sign3A_86 = arith.cmpi sgt, %jit3A_78, %sign3A_85 : i32
    %sign3A_87 = arith.extui %sign3A_86 : i1 to i32
    %sign3A_88 = arith.constant 0 : i32
    %sign3A_89 = arith.cmpi slt, %jit3A_78, %sign3A_88 : i32
    %sign3A_90 = arith.extui %sign3A_89 : i1 to i32
    %sign3A_91 = arith.subi %sign3A_87, %sign3A_90 : i32
    %ne3A_92 = arith.cmpi ne, %sign3A_84, %sign3A_91 : i32
    %rem3A_93 = arith.remsi %sub3A_77, %jit3A_78 : i32
    %ne3A_94 = arith.constant 0 : i32
    %ne3A_95 = arith.cmpi ne, %rem3A_93, %ne3A_94 : i32
    %and3A_96 = arith.andi %ne3A_92, %ne3A_95 : i1
    %sub3A_97 = arith.constant 1 : i32
    %sub3A_98 = arith.subi %div3A, %sub3A_97 : i32
    %select_n3A_99 = arith.select %and3A_96, %sub3A_98, %div3A : i32
    %mul3A_100 = arith.constant 32 : i32
    %mul3A_101 = arith.muli %add3A, %mul3A_100 : i32
    %dma_start3A = arith.constant 0 : i32
    %dma_start3A_102 = tpu.memref_slice %arg11[%mul3A_101, %dma_start3A] : memref<1056x128xf32, #tpu.memory_space<vmem_shared>> -> memref<32x128xf32, #tpu.memory_space<vmem_shared>>
    %dma_start3A_103 = arith.constant 0 : i32
    %dma_start3A_104 = tpu.memref_slice %arg11[%mul3A_101, %dma_start3A_103] : memref<1056x128xf32, #tpu.memory_space<vmem_shared>> -> memref<32x128xf32, #tpu.memory_space<vmem_shared>>
    tpu.enqueue_dma source(%arg9 : memref<32x128xf32, #tpu.memory_space<vmem>>) target(%dma_start3A_104 : memref<32x128xf32, #tpu.memory_space<vmem_shared>>) target_semaphore(%arg12 : memref<!tpu.dma_semaphore, #tpu.memory_space<semaphore_mem>>)
    %dma_wait3A = arith.constant 0 : i32
    %dma_wait3A_105 = tpu.memref_slice %arg11[%mul3A_101, %dma_wait3A] : memref<1056x128xf32, #tpu.memory_space<vmem_shared>> -> memref<32x128xf32, #tpu.memory_space<vmem_shared>>
    %dma_wait3A_106 = arith.constant 0 : i32
    %dma_wait3A_107 = tpu.memref_slice %arg11[%mul3A_101, %dma_wait3A_106] : memref<1056x128xf32, #tpu.memory_space<vmem_shared>> -> memref<32x128xf32, #tpu.memory_space<vmem_shared>>
    tpu.wait_dma2 semaphore(%arg12 : memref<!tpu.dma_semaphore, #tpu.memory_space<semaphore_mem>>) src(%arg9 : memref<32x128xf32, #tpu.memory_space<vmem>>) dst(%dma_wait3A_107 : memref<32x128xf32, #tpu.memory_space<vmem_shared>>)
    %add3A_108 = arith.constant 1024 : i32
    %add3A_109 = arith.addi %add3A_108, %add3A : i32
    %dma_start3A_110 = arith.constant 0 : i32
    %dma_start3A_111 = arith.constant 0 : i32
    %dma_start3A_112 = tpu.memref_slice %arg9[%dma_start3A_110, %dma_start3A_111] : memref<32x128xf32, #tpu.memory_space<vmem>> -> memref<1x128xf32, #tpu.memory_space<vmem>>
    %dma_start3A_113 = arith.constant 0 : i32
    %dma_start3A_114 = tpu.memref_slice %arg11[%add3A_109, %dma_start3A_113] : memref<1056x128xf32, #tpu.memory_space<vmem_shared>> -> memref<1x128xf32, #tpu.memory_space<vmem_shared>>
    %dma_start3A_115 = arith.constant 0 : i32
    %dma_start3A_116 = tpu.memref_slice %arg11[%add3A_109, %dma_start3A_115] : memref<1056x128xf32, #tpu.memory_space<vmem_shared>> -> memref<1x128xf32, #tpu.memory_space<vmem_shared>>
    %dma_start3A_117 = arith.constant 0 : i32
    %dma_start3A_118 = arith.constant 0 : i32
    %dma_start3A_119 = tpu.memref_slice %arg9[%dma_start3A_117, %dma_start3A_118] : memref<32x128xf32, #tpu.memory_space<vmem>> -> memref<1x128xf32, #tpu.memory_space<vmem>>
    tpu.enqueue_dma source(%dma_start3A_119 : memref<1x128xf32, #tpu.memory_space<vmem>>) target(%dma_start3A_116 : memref<1x128xf32, #tpu.memory_space<vmem_shared>>) target_semaphore(%arg12 : memref<!tpu.dma_semaphore, #tpu.memory_space<semaphore_mem>>)
    %dma_wait3A_120 = arith.constant 0 : i32
    %dma_wait3A_121 = arith.constant 0 : i32
    %dma_wait3A_122 = tpu.memref_slice %arg9[%dma_wait3A_120, %dma_wait3A_121] : memref<32x128xf32, #tpu.memory_space<vmem>> -> memref<1x128xf32, #tpu.memory_space<vmem>>
    %dma_wait3A_123 = arith.constant 0 : i32
    %dma_wait3A_124 = tpu.memref_slice %arg11[%add3A_109, %dma_wait3A_123] : memref<1056x128xf32, #tpu.memory_space<vmem_shared>> -> memref<1x128xf32, #tpu.memory_space<vmem_shared>>
    %dma_wait3A_125 = arith.constant 0 : i32
    %dma_wait3A_126 = tpu.memref_slice %arg11[%add3A_109, %dma_wait3A_125] : memref<1056x128xf32, #tpu.memory_space<vmem_shared>> -> memref<1x128xf32, #tpu.memory_space<vmem_shared>>
    %dma_wait3A_127 = arith.constant 0 : i32
    %dma_wait3A_128 = arith.constant 0 : i32
    %dma_wait3A_129 = tpu.memref_slice %arg9[%dma_wait3A_127, %dma_wait3A_128] : memref<32x128xf32, #tpu.memory_space<vmem>> -> memref<1x128xf32, #tpu.memory_space<vmem>>
    tpu.wait_dma2 semaphore(%arg12 : memref<!tpu.dma_semaphore, #tpu.memory_space<semaphore_mem>>) src(%dma_wait3A_129 : memref<1x128xf32, #tpu.memory_space<vmem>>) dst(%dma_wait3A_126 : memref<1x128xf32, #tpu.memory_space<vmem_shared>>)
    %sub3A_130 = arith.constant 0 : i32
    %sub3A_131 = arith.subi %select_n3A_99, %sub3A_130 : i32
    %sub3A_132 = arith.constant 1 : i32
    %sub3A_133 = arith.constant 1 : i32
    %sub3A_134 = arith.subi %sub3A_132, %sub3A_133 : i32
    %add3A_135 = arith.addi %sub3A_131, %sub3A_134 : i32
    %div3A_136 = arith.constant 1 : i32
    %div3A_137 = arith.divsi %add3A_135, %div3A_136 : i32
    %while3A = arith.constant 1 : i32
    %while3A_138 = arith.constant 0 : i32
    %while3A_139 = arith.constant 0 : i32
    %while3A_140 = arith.subi %div3A_137, %while3A_139 : i32
    %while3A_141 = arith.addi %while3A_139, %while3A_140 : i32
    %while3A_142 = arith.constant 1 : i32
    %while3A_143 = arith.divsi %while3A_140, %while3A_142 : i32
    %while3A_144 = arith.muli %while3A_143, %while3A_142 : i32
    %while3A_145 = arith.addi %while3A_139, %while3A_144 : i32
    %while3A_146 = arith.constant 1 : i32
    scf.for %while3A_160 = %while3A_139 to %while3A_145 step %while3A_146  : i32 {
      %mul3A_161 = arith.muli %while3A_160, %while3A : i32
      %add3A_162 = arith.addi %while3A_138, %mul3A_161 : i32
      %mul3A_163 = arith.constant 128 : i32
      %mul3A_164 = arith.muli %add3A_162, %mul3A_163 : i32
      %add3A_165 = arith.addi %sub3A, %mul3A_164 : i32
      %multiple_of3A = tpu.assume_multiple %add3A_165, 128 : i32
      %dma_start3A_166 = arith.constant 0 : i32
      %dma_start3A_167 = tpu.memref_slice %arg2[%multiple_of3A, %dma_start3A_166] : memref<110000x128xf32, #tpu.memory_space<hbm>> -> memref<128x128xf32, #tpu.memory_space<hbm>>
      %dma_start3A_168 = arith.constant 0 : i32
      %dma_start3A_169 = tpu.memref_slice %arg2[%multiple_of3A, %dma_start3A_168] : memref<110000x128xf32, #tpu.memory_space<hbm>> -> memref<128x128xf32, #tpu.memory_space<hbm>>
      tpu.enqueue_dma source(%dma_start3A_169 : memref<128x128xf32, #tpu.memory_space<hbm>>) target(%arg6 : memref<128x128xf32, #tpu.memory_space<vmem>>) target_semaphore(%arg12 : memref<!tpu.dma_semaphore, #tpu.memory_space<semaphore_mem>>)
      %dma_start3A_170 = arith.constant 0 : i32
      %dma_start3A_171 = arith.constant 0 : i32
      %dma_start3A_172 = arith.constant 0 : i32
      %dma_start3A_173 = tpu.memref_slice %arg8[%dma_start3A_171, %dma_start3A_172] : memref<1x128xi32, #tpu.memory_space<vmem>> -> memref<1x128xi32, #tpu.memory_space<vmem>>
      %dma_start3A_174 = tpu.memref_squeeze %dma_start3A_173 : memref<1x128xi32, #tpu.memory_space<vmem>> -> memref<128xi32, #tpu.memory_space<vmem>>
      %dma_start3A_175 = tpu.memref_slice %arg3[%dma_start3A_170, %multiple_of3A] : memref<1x110000xi32, #tpu.memory_space<hbm>> -> memref<1x128xi32, #tpu.memory_space<hbm>>
      %dma_start3A_176 = tpu.memref_squeeze %dma_start3A_175 : memref<1x128xi32, #tpu.memory_space<hbm>> -> memref<128xi32, #tpu.memory_space<hbm>>
      %dma_start3A_177 = arith.constant 0 : i32
      %dma_start3A_178 = tpu.memref_slice %arg8[%dma_start3A_171, %dma_start3A_177] : memref<1x128xi32, #tpu.memory_space<vmem>> -> memref<1x128xi32, #tpu.memory_space<vmem>>
      %dma_start3A_179 = tpu.memref_squeeze %dma_start3A_178 : memref<1x128xi32, #tpu.memory_space<vmem>> -> memref<128xi32, #tpu.memory_space<vmem>>
      %dma_start3A_180 = tpu.memref_slice %arg3[%dma_start3A_170, %multiple_of3A] : memref<1x110000xi32, #tpu.memory_space<hbm>> -> memref<1x128xi32, #tpu.memory_space<hbm>>
      %dma_start3A_181 = tpu.memref_squeeze %dma_start3A_180 : memref<1x128xi32, #tpu.memory_space<hbm>> -> memref<128xi32, #tpu.memory_space<hbm>>
      tpu.enqueue_dma source(%dma_start3A_181 : memref<128xi32, #tpu.memory_space<hbm>>) target(%dma_start3A_179 : memref<128xi32, #tpu.memory_space<vmem>>) target_semaphore(%arg13 : memref<!tpu.dma_semaphore, #tpu.memory_space<semaphore_mem>>)
      %dma_wait3A_182 = arith.constant 0 : i32
      %dma_wait3A_183 = tpu.memref_slice %arg2[%multiple_of3A, %dma_wait3A_182] : memref<110000x128xf32, #tpu.memory_space<hbm>> -> memref<128x128xf32, #tpu.memory_space<hbm>>
      %dma_wait3A_184 = arith.constant 0 : i32
      %dma_wait3A_185 = tpu.memref_slice %arg2[%multiple_of3A, %dma_wait3A_184] : memref<110000x128xf32, #tpu.memory_space<hbm>> -> memref<128x128xf32, #tpu.memory_space<hbm>>
      tpu.wait_dma2 semaphore(%arg12 : memref<!tpu.dma_semaphore, #tpu.memory_space<semaphore_mem>>) src(%dma_wait3A_185 : memref<128x128xf32, #tpu.memory_space<hbm>>) dst(%arg6 : memref<128x128xf32, #tpu.memory_space<vmem>>)
      %dma_wait3A_186 = arith.constant 0 : i32
      %dma_wait3A_187 = arith.constant 0 : i32
      %dma_wait3A_188 = arith.constant 0 : i32
      %dma_wait3A_189 = tpu.memref_slice %arg8[%dma_wait3A_187, %dma_wait3A_188] : memref<1x128xi32, #tpu.memory_space<vmem>> -> memref<1x128xi32, #tpu.memory_space<vmem>>
      %dma_wait3A_190 = tpu.memref_squeeze %dma_wait3A_189 : memref<1x128xi32, #tpu.memory_space<vmem>> -> memref<128xi32, #tpu.memory_space<vmem>>
      %dma_wait3A_191 = tpu.memref_slice %arg3[%dma_wait3A_186, %multiple_of3A] : memref<1x110000xi32, #tpu.memory_space<hbm>> -> memref<1x128xi32, #tpu.memory_space<hbm>>
      %dma_wait3A_192 = tpu.memref_squeeze %dma_wait3A_191 : memref<1x128xi32, #tpu.memory_space<hbm>> -> memref<128xi32, #tpu.memory_space<hbm>>
      %dma_wait3A_193 = arith.constant 0 : i32
      %dma_wait3A_194 = tpu.memref_slice %arg8[%dma_wait3A_187, %dma_wait3A_193] : memref<1x128xi32, #tpu.memory_space<vmem>> -> memref<1x128xi32, #tpu.memory_space<vmem>>
      %dma_wait3A_195 = tpu.memref_squeeze %dma_wait3A_194 : memref<1x128xi32, #tpu.memory_space<vmem>> -> memref<128xi32, #tpu.memory_space<vmem>>
      %dma_wait3A_196 = tpu.memref_slice %arg3[%dma_wait3A_186, %multiple_of3A] : memref<1x110000xi32, #tpu.memory_space<hbm>> -> memref<1x128xi32, #tpu.memory_space<hbm>>
      %dma_wait3A_197 = tpu.memref_squeeze %dma_wait3A_196 : memref<1x128xi32, #tpu.memory_space<hbm>> -> memref<128xi32, #tpu.memory_space<hbm>>
      tpu.wait_dma2 semaphore(%arg13 : memref<!tpu.dma_semaphore, #tpu.memory_space<semaphore_mem>>) src(%dma_wait3A_197 : memref<128xi32, #tpu.memory_space<hbm>>) dst(%dma_wait3A_195 : memref<128xi32, #tpu.memory_space<vmem>>)
      %scan3A_198 = arith.constant 0 : i32
      %scan3A_199 = arith.constant 8 : i32
      %scan3A_200 = arith.addi %scan3A_198, %scan3A_199 : i32
      %scan3A_201 = arith.constant 1 : i32
      scf.for %scan3A_217 = %scan3A_198 to %scan3A_200 step %scan3A_201  : i32 {
        %mul3A_218 = arith.constant 1 : i32
        %mul3A_219 = arith.muli %scan3A_217, %mul3A_218 : i32
        %add3A_220 = arith.constant 0 : i32
        %add3A_221 = arith.addi %add3A_220, %mul3A_219 : i32
        %mul3A_222 = arith.constant 16 : i32
        %mul3A_223 = arith.muli %add3A_221, %mul3A_222 : i32
        %add3A_224 = arith.addi %multiple_of3A, %mul3A_223 : i32
        %add3A_225 = vector.broadcast %add3A_224 : i32 to vector<16xi32>
        %add3A_226 = arith.addi %iota3A, %add3A_225 : vector<16xi32>
        %mul3A_227 = arith.constant 16 : i32
        %mul3A_228 = arith.muli %add3A_221, %mul3A_227 : i32
        %get3A_229 = arith.constant 0 : i32
        %get3A_230 = arith.index_cast %get3A_229 : i32 to index
        %get3A_231 = arith.index_cast %mul3A_228 : i32 to index
        %get3A_232 = tpu.vector_load %arg8[%get3A_230, %get3A_231] {strides = array<i32>} : memref<1x128xi32, #tpu.memory_space<vmem>>, vector<16xi32>,
        %ge3A = vector.broadcast %select_n3A_37 : i32 to vector<16xi32>
        %ge3A_233 = arith.cmpi sge, %add3A_226, %ge3A : vector<16xi32>
        %lt3A_234 = vector.broadcast %select_n3A_58 : i32 to vector<16xi32>
        %lt3A_235 = arith.cmpi slt, %add3A_226, %lt3A_234 : vector<16xi32>
        %and3A_236 = arith.andi %ge3A_233, %lt3A_235 : vector<16xi1>
        %add3A_237 = arith.constant 1024 : i32
        %add3A_238 = arith.addi %add3A_237, %add3A : i32
        %broadcast_in_dim3A_239 = vector.broadcast %add3A_238 : i32 to vector<16xi32>
        %select_n3A_240 = arith.select %and3A_236, %get3A_232, %broadcast_in_dim3A_239 : vector<16xi1>, vector<16xi32>
        %mul3A_241 = arith.constant 16 : i32
        %mul3A_242 = arith.muli %add3A_221, %mul3A_241 : i32
        %swap3A = arith.constant 0 : i32
        %swap3A_243 = arith.index_cast %swap3A : i32 to index
        %swap3A_244 = arith.index_cast %mul3A_242 : i32 to index
        %swap3A_245 = tpu.vector_load %arg7[%swap3A_243, %swap3A_244] {strides = array<i32>} : memref<1x128xi32, #tpu.memory_space<vmem>>, vector<16xi32>,
        tpu.vector_store %arg7[%swap3A_243, %swap3A_244], %select_n3A_240 {strides = array<i32>} : memref<1x128xi32, #tpu.memory_space<vmem>>, vector<16xi32>,
      }
      %scan3A_202 = arith.constant 8 : i32
      %dma_start3A_203 = arith.constant 0 : i32
      %dma_start3A_204 = arith.constant 0 : i32
      %dma_start3A_205 = tpu.memref_slice %arg7[%dma_start3A_203, %dma_start3A_204] : memref<1x128xi32, #tpu.memory_space<vmem>> -> memref<1x128xi32, #tpu.memory_space<vmem>>
      %dma_start3A_206 = tpu.memref_squeeze %dma_start3A_205 : memref<1x128xi32, #tpu.memory_space<vmem>> -> memref<128xi32, #tpu.memory_space<vmem>>
      %dma_start3A_207 = arith.constant 0 : i32
      %dma_start3A_208 = arith.constant 0 : i32
      %dma_start3A_209 = tpu.memref_slice %arg11[%dma_start3A_207, %dma_start3A_208] : memref<1056x128xf32, #tpu.memory_space<vmem_shared>> -> memref<1056x128xf32, #tpu.memory_space<vmem_shared>>
      tpu.enqueue_indirect_dma source(%arg6 : memref<128x128xf32, #tpu.memory_space<vmem>>) target(%dma_start3A_209 : memref<1056x128xf32, #tpu.memory_space<vmem_shared>>) offsets(%dma_start3A_206 : memref<128xi32, #tpu.memory_space<vmem>>) semaphore(%arg12 : memref<!tpu.dma_semaphore, #tpu.memory_space<semaphore_mem>>) {add = true}
      %dma_wait3A_210 = arith.constant 0 : i32
      %dma_wait3A_211 = arith.constant 0 : i32
      %dma_wait3A_212 = tpu.memref_slice %arg7[%dma_wait3A_210, %dma_wait3A_211] : memref<1x128xi32, #tpu.memory_space<vmem>> -> memref<1x128xi32, #tpu.memory_space<vmem>>
      %dma_wait3A_213 = tpu.memref_squeeze %dma_wait3A_212 : memref<1x128xi32, #tpu.memory_space<vmem>> -> memref<128xi32, #tpu.memory_space<vmem>>
      %dma_wait3A_214 = arith.constant 0 : i32
      %dma_wait3A_215 = arith.constant 0 : i32
      %dma_wait3A_216 = tpu.memref_slice %arg11[%dma_wait3A_214, %dma_wait3A_215] : memref<1056x128xf32, #tpu.memory_space<vmem_shared>> -> memref<1056x128xf32, #tpu.memory_space<vmem_shared>>
      tpu.wait_indirect_dma semaphore(%arg12 : memref<!tpu.dma_semaphore, #tpu.memory_space<semaphore_mem>>) src(%arg6 : memref<128x128xf32, #tpu.memory_space<vmem>>) dst(%dma_wait3A_216 : memref<1056x128xf32, #tpu.memory_space<vmem_shared>>)
    }
    %while3A_147 = arith.constant 1 : i32
    scf.for %while3A_160 = %while3A_145 to %while3A_141 step %while3A_147  : i32 {
      %mul3A_161 = arith.muli %while3A_160, %while3A : i32
      %add3A_162 = arith.addi %while3A_138, %mul3A_161 : i32
      %mul3A_163 = arith.constant 128 : i32
      %mul3A_164 = arith.muli %add3A_162, %mul3A_163 : i32
      %add3A_165 = arith.addi %sub3A, %mul3A_164 : i32
      %multiple_of3A = tpu.assume_multiple %add3A_165, 128 : i32
      %dma_start3A_166 = arith.constant 0 : i32
      %dma_start3A_167 = tpu.memref_slice %arg2[%multiple_of3A, %dma_start3A_166] : memref<110000x128xf32, #tpu.memory_space<hbm>> -> memref<128x128xf32, #tpu.memory_space<hbm>>
      %dma_start3A_168 = arith.constant 0 : i32
      %dma_start3A_169 = tpu.memref_slice %arg2[%multiple_of3A, %dma_start3A_168] : memref<110000x128xf32, #tpu.memory_space<hbm>> -> memref<128x128xf32, #tpu.memory_space<hbm>>
      tpu.enqueue_dma source(%dma_start3A_169 : memref<128x128xf32, #tpu.memory_space<hbm>>) target(%arg6 : memref<128x128xf32, #tpu.memory_space<vmem>>) target_semaphore(%arg12 : memref<!tpu.dma_semaphore, #tpu.memory_space<semaphore_mem>>)
      %dma_start3A_170 = arith.constant 0 : i32
      %dma_start3A_171 = arith.constant 0 : i32
      %dma_start3A_172 = arith.constant 0 : i32
      %dma_start3A_173 = tpu.memref_slice %arg8[%dma_start3A_171, %dma_start3A_172] : memref<1x128xi32, #tpu.memory_space<vmem>> -> memref<1x128xi32, #tpu.memory_space<vmem>>
      %dma_start3A_174 = tpu.memref_squeeze %dma_start3A_173 : memref<1x128xi32, #tpu.memory_space<vmem>> -> memref<128xi32, #tpu.memory_space<vmem>>
      %dma_start3A_175 = tpu.memref_slice %arg3[%dma_start3A_170, %multiple_of3A] : memref<1x110000xi32, #tpu.memory_space<hbm>> -> memref<1x128xi32, #tpu.memory_space<hbm>>
      %dma_start3A_176 = tpu.memref_squeeze %dma_start3A_175 : memref<1x128xi32, #tpu.memory_space<hbm>> -> memref<128xi32, #tpu.memory_space<hbm>>
      %dma_start3A_177 = arith.constant 0 : i32
      %dma_start3A_178 = tpu.memref_slice %arg8[%dma_start3A_171, %dma_start3A_177] : memref<1x128xi32, #tpu.memory_space<vmem>> -> memref<1x128xi32, #tpu.memory_space<vmem>>
      %dma_start3A_179 = tpu.memref_squeeze %dma_start3A_178 : memref<1x128xi32, #tpu.memory_space<vmem>> -> memref<128xi32, #tpu.memory_space<vmem>>
      %dma_start3A_180 = tpu.memref_slice %arg3[%dma_start3A_170, %multiple_of3A] : memref<1x110000xi32, #tpu.memory_space<hbm>> -> memref<1x128xi32, #tpu.memory_space<hbm>>
      %dma_start3A_181 = tpu.memref_squeeze %dma_start3A_180 : memref<1x128xi32, #tpu.memory_space<hbm>> -> memref<128xi32, #tpu.memory_space<hbm>>
      tpu.enqueue_dma source(%dma_start3A_181 : memref<128xi32, #tpu.memory_space<hbm>>) target(%dma_start3A_179 : memref<128xi32, #tpu.memory_space<vmem>>) target_semaphore(%arg13 : memref<!tpu.dma_semaphore, #tpu.memory_space<semaphore_mem>>)
      %dma_wait3A_182 = arith.constant 0 : i32
      %dma_wait3A_183 = tpu.memref_slice %arg2[%multiple_of3A, %dma_wait3A_182] : memref<110000x128xf32, #tpu.memory_space<hbm>> -> memref<128x128xf32, #tpu.memory_space<hbm>>
      %dma_wait3A_184 = arith.constant 0 : i32
      %dma_wait3A_185 = tpu.memref_slice %arg2[%multiple_of3A, %dma_wait3A_184] : memref<110000x128xf32, #tpu.memory_space<hbm>> -> memref<128x128xf32, #tpu.memory_space<hbm>>
      tpu.wait_dma2 semaphore(%arg12 : memref<!tpu.dma_semaphore, #tpu.memory_space<semaphore_mem>>) src(%dma_wait3A_185 : memref<128x128xf32, #tpu.memory_space<hbm>>) dst(%arg6 : memref<128x128xf32, #tpu.memory_space<vmem>>)
      %dma_wait3A_186 = arith.constant 0 : i32
      %dma_wait3A_187 = arith.constant 0 : i32
      %dma_wait3A_188 = arith.constant 0 : i32
      %dma_wait3A_189 = tpu.memref_slice %arg8[%dma_wait3A_187, %dma_wait3A_188] : memref<1x128xi32, #tpu.memory_space<vmem>> -> memref<1x128xi32, #tpu.memory_space<vmem>>
      %dma_wait3A_190 = tpu.memref_squeeze %dma_wait3A_189 : memref<1x128xi32, #tpu.memory_space<vmem>> -> memref<128xi32, #tpu.memory_space<vmem>>
      %dma_wait3A_191 = tpu.memref_slice %arg3[%dma_wait3A_186, %multiple_of3A] : memref<1x110000xi32, #tpu.memory_space<hbm>> -> memref<1x128xi32, #tpu.memory_space<hbm>>
      %dma_wait3A_192 = tpu.memref_squeeze %dma_wait3A_191 : memref<1x128xi32, #tpu.memory_space<hbm>> -> memref<128xi32, #tpu.memory_space<hbm>>
      %dma_wait3A_193 = arith.constant 0 : i32
      %dma_wait3A_194 = tpu.memref_slice %arg8[%dma_wait3A_187, %dma_wait3A_193] : memref<1x128xi32, #tpu.memory_space<vmem>> -> memref<1x128xi32, #tpu.memory_space<vmem>>
      %dma_wait3A_195 = tpu.memref_squeeze %dma_wait3A_194 : memref<1x128xi32, #tpu.memory_space<vmem>> -> memref<128xi32, #tpu.memory_space<vmem>>
      %dma_wait3A_196 = tpu.memref_slice %arg3[%dma_wait3A_186, %multiple_of3A] : memref<1x110000xi32, #tpu.memory_space<hbm>> -> memref<1x128xi32, #tpu.memory_space<hbm>>
      %dma_wait3A_197 = tpu.memref_squeeze %dma_wait3A_196 : memref<1x128xi32, #tpu.memory_space<hbm>> -> memref<128xi32, #tpu.memory_space<hbm>>
      tpu.wait_dma2 semaphore(%arg13 : memref<!tpu.dma_semaphore, #tpu.memory_space<semaphore_mem>>) src(%dma_wait3A_197 : memref<128xi32, #tpu.memory_space<hbm>>) dst(%dma_wait3A_195 : memref<128xi32, #tpu.memory_space<vmem>>)
      %scan3A_198 = arith.constant 0 : i32
      %scan3A_199 = arith.constant 8 : i32
      %scan3A_200 = arith.addi %scan3A_198, %scan3A_199 : i32
      %scan3A_201 = arith.constant 1 : i32
      scf.for %scan3A_217 = %scan3A_198 to %scan3A_200 step %scan3A_201  : i32 {
        %mul3A_218 = arith.constant 1 : i32
        %mul3A_219 = arith.muli %scan3A_217, %mul3A_218 : i32
        %add3A_220 = arith.constant 0 : i32
        %add3A_221 = arith.addi %add3A_220, %mul3A_219 : i32
        %mul3A_222 = arith.constant 16 : i32
        %mul3A_223 = arith.muli %add3A_221, %mul3A_222 : i32
        %add3A_224 = arith.addi %multiple_of3A, %mul3A_223 : i32
        %add3A_225 = vector.broadcast %add3A_224 : i32 to vector<16xi32>
        %add3A_226 = arith.addi %iota3A, %add3A_225 : vector<16xi32>
        %mul3A_227 = arith.constant 16 : i32
        %mul3A_228 = arith.muli %add3A_221, %mul3A_227 : i32
        %get3A_229 = arith.constant 0 : i32
        %get3A_230 = arith.index_cast %get3A_229 : i32 to index
        %get3A_231 = arith.index_cast %mul3A_228 : i32 to index
        %get3A_232 = tpu.vector_load %arg8[%get3A_230, %get3A_231] {strides = array<i32>} : memref<1x128xi32, #tpu.memory_space<vmem>>, vector<16xi32>,
        %ge3A = vector.broadcast %select_n3A_37 : i32 to vector<16xi32>
        %ge3A_233 = arith.cmpi sge, %add3A_226, %ge3A : vector<16xi32>
        %lt3A_234 = vector.broadcast %select_n3A_58 : i32 to vector<16xi32>
        %lt3A_235 = arith.cmpi slt, %add3A_226, %lt3A_234 : vector<16xi32>
        %and3A_236 = arith.andi %ge3A_233, %lt3A_235 : vector<16xi1>
        %add3A_237 = arith.constant 1024 : i32
        %add3A_238 = arith.addi %add3A_237, %add3A : i32
        %broadcast_in_dim3A_239 = vector.broadcast %add3A_238 : i32 to vector<16xi32>
        %select_n3A_240 = arith.select %and3A_236, %get3A_232, %broadcast_in_dim3A_239 : vector<16xi1>, vector<16xi32>
        %mul3A_241 = arith.constant 16 : i32
        %mul3A_242 = arith.muli %add3A_221, %mul3A_241 : i32
        %swap3A = arith.constant 0 : i32
        %swap3A_243 = arith.index_cast %swap3A : i32 to index
        %swap3A_244 = arith.index_cast %mul3A_242 : i32 to index
        %swap3A_245 = tpu.vector_load %arg7[%swap3A_243, %swap3A_244] {strides = array<i32>} : memref<1x128xi32, #tpu.memory_space<vmem>>, vector<16xi32>,
        tpu.vector_store %arg7[%swap3A_243, %swap3A_244], %select_n3A_240 {strides = array<i32>} : memref<1x128xi32, #tpu.memory_space<vmem>>, vector<16xi32>,
      }
      %scan3A_202 = arith.constant 8 : i32
      %dma_start3A_203 = arith.constant 0 : i32
      %dma_start3A_204 = arith.constant 0 : i32
      %dma_start3A_205 = tpu.memref_slice %arg7[%dma_start3A_203, %dma_start3A_204] : memref<1x128xi32, #tpu.memory_space<vmem>> -> memref<1x128xi32, #tpu.memory_space<vmem>>
      %dma_start3A_206 = tpu.memref_squeeze %dma_start3A_205 : memref<1x128xi32, #tpu.memory_space<vmem>> -> memref<128xi32, #tpu.memory_space<vmem>>
      %dma_start3A_207 = arith.constant 0 : i32
      %dma_start3A_208 = arith.constant 0 : i32
      %dma_start3A_209 = tpu.memref_slice %arg11[%dma_start3A_207, %dma_start3A_208] : memref<1056x128xf32, #tpu.memory_space<vmem_shared>> -> memref<1056x128xf32, #tpu.memory_space<vmem_shared>>
      tpu.enqueue_indirect_dma source(%arg6 : memref<128x128xf32, #tpu.memory_space<vmem>>) target(%dma_start3A_209 : memref<1056x128xf32, #tpu.memory_space<vmem_shared>>) offsets(%dma_start3A_206 : memref<128xi32, #tpu.memory_space<vmem>>) semaphore(%arg12 : memref<!tpu.dma_semaphore, #tpu.memory_space<semaphore_mem>>) {add = true}
      %dma_wait3A_210 = arith.constant 0 : i32
      %dma_wait3A_211 = arith.constant 0 : i32
      %dma_wait3A_212 = tpu.memref_slice %arg7[%dma_wait3A_210, %dma_wait3A_211] : memref<1x128xi32, #tpu.memory_space<vmem>> -> memref<1x128xi32, #tpu.memory_space<vmem>>
      %dma_wait3A_213 = tpu.memref_squeeze %dma_wait3A_212 : memref<1x128xi32, #tpu.memory_space<vmem>> -> memref<128xi32, #tpu.memory_space<vmem>>
      %dma_wait3A_214 = arith.constant 0 : i32
      %dma_wait3A_215 = arith.constant 0 : i32
      %dma_wait3A_216 = tpu.memref_slice %arg11[%dma_wait3A_214, %dma_wait3A_215] : memref<1056x128xf32, #tpu.memory_space<vmem_shared>> -> memref<1056x128xf32, #tpu.memory_space<vmem_shared>>
      tpu.wait_indirect_dma semaphore(%arg12 : memref<!tpu.dma_semaphore, #tpu.memory_space<semaphore_mem>>) src(%arg6 : memref<128x128xf32, #tpu.memory_space<vmem>>) dst(%dma_wait3A_216 : memref<1056x128xf32, #tpu.memory_space<vmem_shared>>)
    }
    %mul3A_148 = arith.constant 32 : i32
    %mul3A_149 = arith.muli %add3A, %mul3A_148 : i32
    %mul3A_150 = arith.constant 32 : i32
    %mul3A_151 = arith.muli %add3A, %mul3A_150 : i32
    %dma_start3A_152 = arith.constant 0 : i32
    %dma_start3A_153 = tpu.memref_slice %arg5[%mul3A_151, %dma_start3A_152] : memref<1024x128xf32, #tpu.memory_space<hbm>> -> memref<32x128xf32, #tpu.memory_space<hbm>>
    %dma_start3A_154 = arith.constant 0 : i32
    %dma_start3A_155 = tpu.memref_slice %arg11[%mul3A_149, %dma_start3A_154] : memref<1056x128xf32, #tpu.memory_space<vmem_shared>> -> memref<32x128xf32, #tpu.memory_space<vmem_shared>>
    tpu.enqueue_dma source(%dma_start3A_155 : memref<32x128xf32, #tpu.memory_space<vmem_shared>>) target(%dma_start3A_153 : memref<32x128xf32, #tpu.memory_space<hbm>>) target_semaphore(%arg12 : memref<!tpu.dma_semaphore, #tpu.memory_space<semaphore_mem>>)
    %dma_wait3A_156 = arith.constant 0 : i32
    %dma_wait3A_157 = tpu.memref_slice %arg5[%mul3A_151, %dma_wait3A_156] : memref<1024x128xf32, #tpu.memory_space<hbm>> -> memref<32x128xf32, #tpu.memory_space<hbm>>
    %dma_wait3A_158 = arith.constant 0 : i32
    %dma_wait3A_159 = tpu.memref_slice %arg11[%mul3A_149, %dma_wait3A_158] : memref<1056x128xf32, #tpu.memory_space<vmem_shared>> -> memref<32x128xf32, #tpu.memory_space<vmem_shared>>
    tpu.wait_dma2 semaphore(%arg12 : memref<!tpu.dma_semaphore, #tpu.memory_space<semaphore_mem>>) src(%dma_wait3A_159 : memref<32x128xf32, #tpu.memory_space<vmem_shared>>) dst(%dma_wait3A_157 : memref<32x128xf32, #tpu.memory_space<hbm>>)
    return
  }
}

module attributes {stable_mosaic.version = 14 : i64} {
  func.func @_mm_body(%arg0: i32, %arg1: memref<1x1x10000xi32, #tpu.memory_space<vmem>>, %arg2: memref<1x10000x128xf32, #tpu.memory_space<vmem>>, %arg3: memref<128x128xf32, #tpu.memory_space<vmem>>, %arg4: memref<1x128xf32, #tpu.memory_space<vmem>>, %arg5: memref<1x10000x128xf32, #tpu.memory_space<vmem>>, %arg6: memref<1024x1xf32, #tpu.memory_space<vmem>>, %arg7: memref<1152x1xf32, #tpu.memory_space<vmem>>) attributes {dimension_semantics = [#tpu.dimension_semantics<arbitrary>], iteration_bounds = array<i64: 10>, scalar_prefetch = 0 : i64, scratch_operands = 1 : i64, tpu.core_type = #tpu.core_type<tc>, window_params = [{transform_indices = @transform_0, window_bounds = array<i64: 1, 1, 10000>}, {transform_indices = @transform_1, window_bounds = array<i64: 1, 10000, 128>}, {pipeline_mode = #tpu.pipeline_mode<synchronous>, transform_indices = @transform_2, window_bounds = array<i64: 128, 128>}, {pipeline_mode = #tpu.pipeline_mode<synchronous>, transform_indices = @transform_3, window_bounds = array<i64: 1, 128>}, {transform_indices = @transform_4, window_bounds = array<i64: 1, 10000, 128>}, {pipeline_mode = #tpu.pipeline_mode<synchronous>, transform_indices = @transform_5, window_bounds = array<i64: 1024, 1>}]} {
    %eq3A = arith.constant 0 : i32
    %eq3A_0 = arith.cmpi eq, %arg0, %eq3A : i32
    %convert_element_type3A = arith.extui %eq3A_0 : i1 to i32
    %cond3A = arith.constant 0 : i32
    %cond3A_1 = arith.cmpi ne, %convert_element_type3A, %cond3A : i32
    scf.if %cond3A_1 {
      %broadcast_in_dim3A = arith.constant 0.000000e+00 : f32
      %broadcast_in_dim3A_90 = vector.broadcast %broadcast_in_dim3A : f32 to vector<1152x1xf32>
      %swap3A_91 = arith.constant 0 : index
      %swap3A_92 = arith.constant 0 : index
      %swap3A_93 = vector.load %arg7[%swap3A_91, %swap3A_92] : memref<1152x1xf32, #tpu.memory_space<vmem>>, vector<1152x1xf32>
      tpu.vector_store %arg7[%swap3A_91, %swap3A_92], %broadcast_in_dim3A_90 {strides = array<i32>} : memref<1152x1xf32, #tpu.memory_space<vmem>>, vector<1152x1xf32>,
    } else {
    }
    %get3A = arith.constant 0 : index
    %get3A_2 = arith.constant 0 : index
    %get3A_3 = arith.constant 0 : index
    %get3A_4 = vector.load %arg2[%get3A, %get3A_2, %get3A_3] : memref<1x10000x128xf32, #tpu.memory_space<vmem>>, vector<1x10000x128xf32>
    %get3A_5 = vector.shape_cast %get3A_4 : vector<1x10000x128xf32> to vector<10000x128xf32>
    %convert_element_type3A_6 = arith.truncf %get3A_5 : vector<10000x128xf32> to vector<10000x128xbf16>
    %get3A_7 = arith.constant 0 : index
    %get3A_8 = arith.constant 0 : index
    %get3A_9 = vector.load %arg3[%get3A_7, %get3A_8] : memref<128x128xf32, #tpu.memory_space<vmem>>, vector<128x128xf32>
    %convert_element_type3A_10 = arith.truncf %get3A_9 : vector<128x128xf32> to vector<128x128xbf16>
    %dot_general3A = arith.constant dense<0.000000e+00> : vector<10000x128xf32>
    %dot_general3A_11 = tpu.matmul %convert_element_type3A_6, %convert_element_type3A_10, %dot_general3A {dimension_numbers = #tpu.dot_dimension_numbers<[1], [0], [0], [1], [0, 0, 1, 1], [], []>, transpose_lhs_hint = false} : vector<10000x128xbf16>, vector<128x128xbf16>, vector<10000x128xf32> -> vector<10000x128xf32>
    %get3A_12 = arith.constant 0 : index
    %get3A_13 = arith.constant 0 : index
    %get3A_14 = vector.load %arg4[%get3A_12, %get3A_13] : memref<1x128xf32, #tpu.memory_space<vmem>>, vector<1x128xf32>
    %add3A = vector.broadcast %get3A_14 : vector<1x128xf32> to vector<10000x128xf32>
    %add3A_15 = arith.addf %dot_general3A_11, %add3A : vector<10000x128xf32>
    %max3A = arith.constant 0.000000e+00 : f32
    %max3A_16 = vector.broadcast %max3A : f32 to vector<10000x128xf32>
    %max3A_17 = arith.maximumf %add3A_15, %max3A_16 : vector<10000x128xf32>
    %swap3A = arith.constant 0 : index
    %swap3A_18 = arith.constant 0 : index
    %swap3A_19 = arith.constant 0 : index
    %swap3A_20 = vector.load %arg5[%swap3A, %swap3A_18, %swap3A_19] : memref<1x10000x128xf32, #tpu.memory_space<vmem>>, vector<1x10000x128xf32>
    %swap3A_21 = vector.shape_cast %swap3A_20 : vector<1x10000x128xf32> to vector<10000x128xf32>
    %swap3A_22 = vector.shape_cast %max3A_17 : vector<10000x128xf32> to vector<1x10000x128xf32>
    tpu.vector_store %arg5[%swap3A, %swap3A_18, %swap3A_19], %swap3A_22 {strides = array<i32>} : memref<1x10000x128xf32, #tpu.memory_space<vmem>>, vector<1x10000x128xf32>,
    %get3A_23 = arith.constant 0 : index
    %get3A_24 = arith.constant 0 : index
    %get3A_25 = arith.constant 0 : index
    %get3A_26 = vector.load %arg1[%get3A_23, %get3A_24, %get3A_25] : memref<1x1x10000xi32, #tpu.memory_space<vmem>>, vector<1x1x1xi32>
    %get3A_27 = vector.extract %get3A_26[0, 0, 0] : i32 from vector<1x1x1xi32>
    %get3A_28 = arith.constant 0 : index
    %get3A_29 = arith.constant 0 : index
    %get3A_30 = arith.constant 9999 : index
    %get3A_31 = vector.load %arg1[%get3A_28, %get3A_29, %get3A_30] : memref<1x1x10000xi32, #tpu.memory_space<vmem>>, vector<1x1x1xi32>
    %get3A_32 = vector.extract %get3A_31[0, 0, 0] : i32 from vector<1x1x1xi32>
    %jit3A = arith.constant 8 : i32
    %eq3A_33 = arith.constant 0 : i32
    %eq3A_34 = arith.cmpi eq, %jit3A, %eq3A_33 : i32
    %jit3A_35 = arith.constant 1 : i32
    %select_n3A = arith.select %eq3A_34, %jit3A_35, %jit3A : i32
    %rem3A = arith.remsi %get3A_27, %select_n3A : i32
    %ne3A = arith.constant 0 : i32
    %ne3A_36 = arith.cmpi ne, %rem3A, %ne3A : i32
    %lt3A = arith.constant 0 : i32
    %lt3A_37 = arith.cmpi slt, %rem3A, %lt3A : i32
    %lt3A_38 = arith.constant 0 : i32
    %lt3A_39 = arith.cmpi slt, %select_n3A, %lt3A_38 : i32
    %ne3A_40 = arith.xori %lt3A_37, %lt3A_39 : i1
    %and3A = arith.andi %ne3A_40, %ne3A_36 : i1
    %add3A_41 = arith.addi %rem3A, %select_n3A : i32
    %select_n3A_42 = arith.select %and3A, %add3A_41, %rem3A : i32
    %sub3A = arith.subi %get3A_27, %select_n3A_42 : i32
    %sub3A_43 = arith.subi %get3A_32, %sub3A : i32
    %jit3A_44 = arith.constant 128 : i32
    %div3A = arith.divsi %sub3A_43, %jit3A_44 : i32
    %sign3A = arith.constant 0 : i32
    %sign3A_45 = arith.cmpi sgt, %sub3A_43, %sign3A : i32
    %sign3A_46 = arith.extui %sign3A_45 : i1 to i32
    %sign3A_47 = arith.constant 0 : i32
    %sign3A_48 = arith.cmpi slt, %sub3A_43, %sign3A_47 : i32
    %sign3A_49 = arith.extui %sign3A_48 : i1 to i32
    %sign3A_50 = arith.subi %sign3A_46, %sign3A_49 : i32
    %sign3A_51 = arith.constant 0 : i32
    %sign3A_52 = arith.cmpi sgt, %jit3A_44, %sign3A_51 : i32
    %sign3A_53 = arith.extui %sign3A_52 : i1 to i32
    %sign3A_54 = arith.constant 0 : i32
    %sign3A_55 = arith.cmpi slt, %jit3A_44, %sign3A_54 : i32
    %sign3A_56 = arith.extui %sign3A_55 : i1 to i32
    %sign3A_57 = arith.subi %sign3A_53, %sign3A_56 : i32
    %ne3A_58 = arith.cmpi ne, %sign3A_50, %sign3A_57 : i32
    %rem3A_59 = arith.remsi %sub3A_43, %jit3A_44 : i32
    %ne3A_60 = arith.constant 0 : i32
    %ne3A_61 = arith.cmpi ne, %rem3A_59, %ne3A_60 : i32
    %and3A_62 = arith.andi %ne3A_58, %ne3A_61 : i1
    %sub3A_63 = arith.constant 1 : i32
    %sub3A_64 = arith.subi %div3A, %sub3A_63 : i32
    %select_n3A_65 = arith.select %and3A_62, %sub3A_64, %div3A : i32
    %add3A_66 = arith.constant 1 : i32
    %add3A_67 = arith.addi %select_n3A_65, %add3A_66 : i32
    %get3A_68 = arith.constant 0 : index
    %get3A_69 = arith.constant 0 : index
    %get3A_70 = arith.constant 0 : index
    %get3A_71 = vector.load %arg1[%get3A_68, %get3A_69, %get3A_70] : memref<1x1x10000xi32, #tpu.memory_space<vmem>>, vector<1x1x10000xi32>
    %get3A_72 = vector.shape_cast %get3A_71 : vector<1x1x10000xi32> to vector<10000xi32>
    %convert_element_type3A_73 = arith.trunci %get3A_72 : vector<10000xi32> to vector<10000xi16>
    %iota3A = tpu.iota {dimensions = array<i32: 0>} : vector<128x10000xi16>
    %while3A = arith.constant 0 : i32
    %while3A_74 = arith.constant 0 : i32
    %while3A_75 = arith.subi %add3A_67, %while3A : i32
    %while3A_76 = arith.addi %while3A, %while3A_75 : i32
    %while3A_77 = arith.constant 1 : i32
    %while3A_78 = arith.divsi %while3A_75, %while3A_77 : i32
    %while3A_79 = arith.muli %while3A_78, %while3A_77 : i32
    %while3A_80 = arith.addi %while3A, %while3A_79 : i32
    %while3A_81 = arith.constant 1 : i32
    %while3A_82 = scf.for %while3A_90 = %while3A to %while3A_80 step %while3A_81 iter_args(%while3A_91 = %while3A_74) -> (i32)  : i32 {
      %mul3A = arith.constant 128 : i32
      %mul3A_92 = arith.muli %while3A_90, %mul3A : i32
      %add3A_93 = arith.addi %sub3A, %mul3A_92 : i32
      %convert_element_type3A_94 = arith.trunci %add3A_93 : i32 to i16
      %sub3A_95 = vector.broadcast %convert_element_type3A_94 : i16 to vector<10000xi16>
      %sub3A_96 = arith.subi %convert_element_type3A_73, %sub3A_95 : vector<10000xi16>
      %broadcast_in_dim3A = vector.shape_cast %sub3A_96 : vector<10000xi16> to vector<1x10000xi16>
      %broadcast_in_dim3A_97 = vector.shape_cast %broadcast_in_dim3A : vector<1x10000xi16> to vector<1x10000xi16>
      %broadcast_in_dim3A_98 = vector.broadcast %broadcast_in_dim3A_97 : vector<1x10000xi16> to vector<128x10000xi16>
      %eq3A_99 = arith.cmpi eq, %iota3A, %broadcast_in_dim3A_98 : vector<128x10000xi16>
      %get3A_100 = arith.index_cast %add3A_93 : i32 to index
      %get3A_101 = arith.constant 0 : index
      %get3A_102 = vector.load %arg7[%get3A_100, %get3A_101] : memref<1152x1xf32, #tpu.memory_space<vmem>>, vector<128x1xf32>
      %convert_element_type3A_103 = arith.extui %eq3A_99 : vector<128x10000xi1> to vector<128x10000xi32>
      %convert_element_type3A_104 = arith.sitofp %convert_element_type3A_103 : vector<128x10000xi32> to vector<128x10000xf32>
      %reduce_sum3A = arith.constant dense<0.000000e+00> : vector<128xf32>
      %reduce_sum3A_105 = vector.multi_reduction <add>, %convert_element_type3A_104, %reduce_sum3A [1] : vector<128x10000xf32> to vector<128xf32>
      %broadcast_in_dim3A_106 = vector.shape_cast %reduce_sum3A_105 : vector<128xf32> to vector<128x1xf32>
      %add3A_107 = arith.addf %get3A_102, %broadcast_in_dim3A_106 : vector<128x1xf32>
      %swap3A_108 = arith.index_cast %add3A_93 : i32 to index
      %swap3A_109 = arith.constant 0 : index
      %swap3A_110 = vector.load %arg7[%swap3A_108, %swap3A_109] : memref<1152x1xf32, #tpu.memory_space<vmem>>, vector<128x1xf32>
      tpu.vector_store %arg7[%swap3A_108, %swap3A_109], %add3A_107 {strides = array<i32>} : memref<1152x1xf32, #tpu.memory_space<vmem>>, vector<128x1xf32>,
      %while3A_111 = arith.constant 0 : i32
      scf.yield %while3A_111 : i32
    }
    %while3A_83 = arith.constant 1 : i32
    %while3A_84 = scf.for %while3A_90 = %while3A_80 to %while3A_76 step %while3A_83 iter_args(%while3A_91 = %while3A_82) -> (i32)  : i32 {
      %mul3A = arith.constant 128 : i32
      %mul3A_92 = arith.muli %while3A_90, %mul3A : i32
      %add3A_93 = arith.addi %sub3A, %mul3A_92 : i32
      %convert_element_type3A_94 = arith.trunci %add3A_93 : i32 to i16
      %sub3A_95 = vector.broadcast %convert_element_type3A_94 : i16 to vector<10000xi16>
      %sub3A_96 = arith.subi %convert_element_type3A_73, %sub3A_95 : vector<10000xi16>
      %broadcast_in_dim3A = vector.shape_cast %sub3A_96 : vector<10000xi16> to vector<1x10000xi16>
      %broadcast_in_dim3A_97 = vector.shape_cast %broadcast_in_dim3A : vector<1x10000xi16> to vector<1x10000xi16>
      %broadcast_in_dim3A_98 = vector.broadcast %broadcast_in_dim3A_97 : vector<1x10000xi16> to vector<128x10000xi16>
      %eq3A_99 = arith.cmpi eq, %iota3A, %broadcast_in_dim3A_98 : vector<128x10000xi16>
      %get3A_100 = arith.index_cast %add3A_93 : i32 to index
      %get3A_101 = arith.constant 0 : index
      %get3A_102 = vector.load %arg7[%get3A_100, %get3A_101] : memref<1152x1xf32, #tpu.memory_space<vmem>>, vector<128x1xf32>
      %convert_element_type3A_103 = arith.extui %eq3A_99 : vector<128x10000xi1> to vector<128x10000xi32>
      %convert_element_type3A_104 = arith.sitofp %convert_element_type3A_103 : vector<128x10000xi32> to vector<128x10000xf32>
      %reduce_sum3A = arith.constant dense<0.000000e+00> : vector<128xf32>
      %reduce_sum3A_105 = vector.multi_reduction <add>, %convert_element_type3A_104, %reduce_sum3A [1] : vector<128x10000xf32> to vector<128xf32>
      %broadcast_in_dim3A_106 = vector.shape_cast %reduce_sum3A_105 : vector<128xf32> to vector<128x1xf32>
      %add3A_107 = arith.addf %get3A_102, %broadcast_in_dim3A_106 : vector<128x1xf32>
      %swap3A_108 = arith.index_cast %add3A_93 : i32 to index
      %swap3A_109 = arith.constant 0 : index
      %swap3A_110 = vector.load %arg7[%swap3A_108, %swap3A_109] : memref<1152x1xf32, #tpu.memory_space<vmem>>, vector<128x1xf32>
      tpu.vector_store %arg7[%swap3A_108, %swap3A_109], %add3A_107 {strides = array<i32>} : memref<1152x1xf32, #tpu.memory_space<vmem>>, vector<128x1xf32>,
      %while3A_111 = arith.constant 0 : i32
      scf.yield %while3A_111 : i32
    }
    %eq3A_85 = arith.constant 9 : i32
    %eq3A_86 = arith.cmpi eq, %arg0, %eq3A_85 : i32
    %convert_element_type3A_87 = arith.extui %eq3A_86 : i1 to i32
    %cond3A_88 = arith.constant 0 : i32
    %cond3A_89 = arith.cmpi ne, %convert_element_type3A_87, %cond3A_88 : i32
    scf.if %cond3A_89 {
      %get3A_90 = arith.constant 0 : index
      %get3A_91 = arith.constant 0 : index
      %get3A_92 = vector.load %arg7[%get3A_90, %get3A_91] : memref<1152x1xf32, #tpu.memory_space<vmem>>, vector<1024x1xf32>
      %swap3A_93 = arith.constant 0 : index
      %swap3A_94 = arith.constant 0 : index
      %swap3A_95 = vector.load %arg6[%swap3A_93, %swap3A_94] : memref<1024x1xf32, #tpu.memory_space<vmem>>, vector<1024x1xf32>
      tpu.vector_store %arg6[%swap3A_93, %swap3A_94], %get3A_92 {strides = array<i32>} : memref<1024x1xf32, #tpu.memory_space<vmem>>, vector<1024x1xf32>,
    } else {
    }
    return
  }
  func.func @transform_0(%arg0: i32) -> (i32, i32, i32) {
    %c0_i32 = arith.constant 0 : i32
    %c0_i32_0 = arith.constant 0 : i32
    %c0_i32_1 = arith.constant 0 : i32
    return %arg0, %c0_i32, %c0_i32_0 : i32, i32, i32
  }
  func.func @transform_1(%arg0: i32) -> (i32, i32, i32) {
    %c0_i32 = arith.constant 0 : i32
    %c0_i32_0 = arith.constant 0 : i32
    %c0_i32_1 = arith.constant 0 : i32
    return %arg0, %c0_i32, %c0_i32_0 : i32, i32, i32
  }
  func.func @transform_2(%arg0: i32) -> (i32, i32) {
    %c0_i32 = arith.constant 0 : i32
    %c0_i32_0 = arith.constant 0 : i32
    %c0_i32_1 = arith.constant 0 : i32
    return %c0_i32, %c0_i32_0 : i32, i32
  }
  func.func @transform_3(%arg0: i32) -> (i32, i32) {
    %c0_i32 = arith.constant 0 : i32
    %c0_i32_0 = arith.constant 0 : i32
    %c0_i32_1 = arith.constant 0 : i32
    return %c0_i32, %c0_i32_0 : i32, i32
  }
  func.func @transform_4(%arg0: i32) -> (i32, i32, i32) {
    %c0_i32 = arith.constant 0 : i32
    %c0_i32_0 = arith.constant 0 : i32
    %c0_i32_1 = arith.constant 0 : i32
    return %arg0, %c0_i32, %c0_i32_0 : i32, i32, i32
  }
  func.func @transform_5(%arg0: i32) -> (i32, i32) {
    %c0_i32 = arith.constant 0 : i32
    %c0_i32_0 = arith.constant 0 : i32
    %c0_i32_1 = arith.constant 0 : i32
    return %c0_i32, %c0_i32_0 : i32, i32
  }
}

module attributes {stable_mosaic.version = 14 : i64} {
  func.func @_finish_body(%arg0: i32, %arg1: memref<1024x128xf32, #tpu.memory_space<vmem>>, %arg2: memref<1024x1xf32, #tpu.memory_space<vmem>>, %arg3: memref<256x128xf32, #tpu.memory_space<vmem>>, %arg4: memref<1x128xf32, #tpu.memory_space<vmem>>, %arg5: memref<1024x128xf32, #tpu.memory_space<vmem>>) attributes {dimension_semantics = [#tpu.dimension_semantics<arbitrary>], iteration_bounds = array<i64: 1>, scalar_prefetch = 0 : i64, scratch_operands = 0 : i64, tpu.core_type = #tpu.core_type<tc>, window_params = [{pipeline_mode = #tpu.pipeline_mode<synchronous>, transform_indices = @transform_0, window_bounds = array<i64: 1024, 128>}, {pipeline_mode = #tpu.pipeline_mode<synchronous>, transform_indices = @transform_1, window_bounds = array<i64: 1024, 1>}, {pipeline_mode = #tpu.pipeline_mode<synchronous>, transform_indices = @transform_2, window_bounds = array<i64: 256, 128>}, {pipeline_mode = #tpu.pipeline_mode<synchronous>, transform_indices = @transform_3, window_bounds = array<i64: 1, 128>}, {pipeline_mode = #tpu.pipeline_mode<synchronous>, transform_indices = @transform_4, window_bounds = array<i64: 1024, 128>}]} {
    %get3A = arith.constant 0 : index
    %get3A_0 = arith.constant 0 : index
    %get3A_1 = vector.load %arg1[%get3A, %get3A_0] : memref<1024x128xf32, #tpu.memory_space<vmem>>, vector<1024x128xf32>
    %get3A_2 = arith.constant 0 : index
    %get3A_3 = arith.constant 0 : index
    %get3A_4 = vector.load %arg2[%get3A_2, %get3A_3] : memref<1024x1xf32, #tpu.memory_space<vmem>>, vector<1024x1xf32>
    %max3A = arith.constant 1.000000e+00 : f32
    %max3A_5 = vector.broadcast %max3A : f32 to vector<1024x1xf32>
    %max3A_6 = arith.maximumf %get3A_4, %max3A_5 : vector<1024x1xf32>
    %div3A = arith.constant 1.000000e+00 : f32
    %div3A_7 = vector.broadcast %div3A : f32 to vector<1024x1xf32>
    %div3A_8 = arith.divf %div3A_7, %max3A_6 : vector<1024x1xf32>
    %mul3A = vector.broadcast %div3A_8 : vector<1024x1xf32> to vector<1024x128xf32>
    %mul3A_9 = arith.mulf %get3A_1, %mul3A : vector<1024x128xf32>
    %get3A_10 = arith.constant 0 : index
    %get3A_11 = arith.constant 0 : index
    %get3A_12 = vector.load %arg3[%get3A_10, %get3A_11] : memref<256x128xf32, #tpu.memory_space<vmem>>, vector<128x128xf32>
    %get3A_13 = arith.constant 128 : index
    %get3A_14 = arith.constant 0 : index
    %get3A_15 = vector.load %arg3[%get3A_13, %get3A_14] : memref<256x128xf32, #tpu.memory_space<vmem>>, vector<128x128xf32>
    %dot_general3A = arith.constant dense<0.000000e+00> : vector<1024x128xf32>
    %dot_general3A_16 = tpu.matmul %get3A_1, %get3A_12, %dot_general3A {dimension_numbers = #tpu.dot_dimension_numbers<[1], [0], [0], [1], [0, 0, 1, 1], [], []>, transpose_lhs_hint = false} : vector<1024x128xf32>, vector<128x128xf32>, vector<1024x128xf32> -> vector<1024x128xf32>
    %dot_general3A_17 = arith.constant dense<0.000000e+00> : vector<1024x128xf32>
    %dot_general3A_18 = tpu.matmul %mul3A_9, %get3A_15, %dot_general3A_17 {dimension_numbers = #tpu.dot_dimension_numbers<[1], [0], [0], [1], [0, 0, 1, 1], [], []>, transpose_lhs_hint = false} : vector<1024x128xf32>, vector<128x128xf32>, vector<1024x128xf32> -> vector<1024x128xf32>
    %add3A = arith.addf %dot_general3A_16, %dot_general3A_18 : vector<1024x128xf32>
    %get3A_19 = arith.constant 0 : index
    %get3A_20 = arith.constant 0 : index
    %get3A_21 = vector.load %arg4[%get3A_19, %get3A_20] : memref<1x128xf32, #tpu.memory_space<vmem>>, vector<1x128xf32>
    %add3A_22 = vector.broadcast %get3A_21 : vector<1x128xf32> to vector<1024x128xf32>
    %add3A_23 = arith.addf %add3A, %add3A_22 : vector<1024x128xf32>
    %swap3A = arith.constant 0 : index
    %swap3A_24 = arith.constant 0 : index
    %swap3A_25 = vector.load %arg5[%swap3A, %swap3A_24] : memref<1024x128xf32, #tpu.memory_space<vmem>>, vector<1024x128xf32>
    tpu.vector_store %arg5[%swap3A, %swap3A_24], %add3A_23 {strides = array<i32>} : memref<1024x128xf32, #tpu.memory_space<vmem>>, vector<1024x128xf32>,
    return
  }
  func.func @transform_0(%arg0: i32) -> (i32, i32) {
    %c0_i32 = arith.constant 0 : i32
    %c0_i32_0 = arith.constant 0 : i32
    %c0_i32_1 = arith.constant 0 : i32
    return %c0_i32, %c0_i32_0 : i32, i32
  }
  func.func @transform_1(%arg0: i32) -> (i32, i32) {
    %c0_i32 = arith.constant 0 : i32
    %c0_i32_0 = arith.constant 0 : i32
    %c0_i32_1 = arith.constant 0 : i32
    return %c0_i32, %c0_i32_0 : i32, i32
  }
  func.func @transform_2(%arg0: i32) -> (i32, i32) {
    %c0_i32 = arith.constant 0 : i32
    %c0_i32_0 = arith.constant 0 : i32
    %c0_i32_1 = arith.constant 0 : i32
    return %c0_i32, %c0_i32_0 : i32, i32
  }
  func.func @transform_3(%arg0: i32) -> (i32, i32) {
    %c0_i32 = arith.constant 0 : i32
    %c0_i32_0 = arith.constant 0 : i32
    %c0_i32_1 = arith.constant 0 : i32
    return %c0_i32, %c0_i32_0 : i32, i32
  }
  func.func @transform_4(%arg0: i32) -> (i32, i32) {
    %c0_i32 = arith.constant 0 : i32
    %c0_i32_0 = arith.constant 0 : i32
    %c0_i32_1 = arith.constant 0 : i32
    return %c0_i32, %c0_i32_0 : i32, i32
  }
}

</mosaic_0001>

<sc_bundles>
// kernel: kernel.5.cloned.1.call-start
scs
__scs_entry_jumppad:
0x0: {  	(pc) =	sbr.rel $0x88, $3  }
0x1: {  	(tag) =	ssettag $0x0;
	lr =	simm.s32 $0x1  }
0x2: {  	[smem:$0x3F9B] =	sst lr;
	_ =	strace $0xD0000000  }
0x3: {  	_ = 	snop  }
0x4: {  	_ = 	snop  }
0x5: {  	_ = 	snop  }
0x6: {  	_ = 	snop  }
0x7: {  	_ = 	snop  }
__scs_overlays_trampoline_lowered:
0x8: {  	[smem:$0x3FAA] =	sst s0  }
0x9: {  	[smem:$0x3FAB] =	sst s1  }
0xa: {  	[smem:$0x3FAC] =	sst s2  }
0xb: {  	[smem:$0x3FAD] =	sst s3  }
0xc: {  	[smem:$0x3FAE] =	sst s4  }
0xd: {  	[smem:$0x3FAF] =	sst s5  }
0xe: {  	[smem:$0x3FB0] =	sst s6  }
0xf: {  	[smem:$0x3FB1] =	sst s7  }
0x10: {  	[smem:$0x3FB2] =	sst s8  }
0x11: {  	[smem:$0x3FB3] =	sst s9;
	s0 =	simm.s32 @!p0 $0x0  }
0x12: {  	s1 =	sld [smem:$0x3F99];
	s0 =	simm.s32 @p0 $0x1  }
0x13: {  	[smem:$0x3FB4] =	sst s0;
	s0 =	simm.s32 @!p1 $0x0  }
0x14: {  	s2 =	sld [smem:$0x3F98];
	s0 =	simm.s32 @p1 $0x1  }
0x15: {  	[smem:$0x3FB5] =	sst s0;
	s0 =	simm.s32 @!p2 $0x0  }
0x16: {  	s3 =	sld [smem:$0x3FDB];
	s0 =	simm.s32 @p2 $0x1  }
0x17: {  	s4 =	simm.s32 $0x1BF5;
	[smem:$0x3FB7] =	sst s0  }
0x18: {  	s0 =	sld [smem:$0x3F9A];
	_ =	swait.ge [sflag:s4], $0x0  }
0x19: {  	s7 =	sld [smem:$0x3F9B]  }
0x1a: {  	s8 =	sadd.s32 $0xFFFFE003, lr  }
0x1b: {  	s9 =	sadd.s32 $0xFFFFFEF7, lr;
	s5 =	simm.s32 $0xFFFFFFFF;
	p2 =	slt.u32 s8, $0xFFFFF086  }
0x1c: {  	p1 =	slt.u32 s9, $0xF7A;
	s5 =	simm.s32 @!p2 $0x0  }
0x1d: {  	s5 =	simm.s32 @p1 $0x1;
	p0 =	seq.s32 s7, s2  }
0x1e: {  	s7 =	smul.u32 @!p0 $0xF7A, s2;
	p2 =	seq.s32 @!p0 s5, $0x0  }
0x1f: {  	s9 =	smul.u32 $0xF7A, s1;
	s8 =	simm.s32 @!p0 $0x1BF5;
	p2 =	por !p2, p0  }
0x20: {  	[sflag:s8] =	ssyncset.s32 @!p0 $0xFFFFF086;
	s6 =	sadd.s32 @!p0 s3, s7;
	s7 =	simm.s32 @!p0 $0x108  }
0x21: {  	s3 =	sadd.s32 s3, s9;
	s6 =	sadd.s32 @!p0 $0x88, s6;
	s7 =	simm.s32 @p2 $0x1082  }
0x22: {  	[simem:s7], [sflag:s8] =	dma.local @!p0 [hbm:s6], $0xF7A  }
0x23: {  	s9 =	sor.u32 $0xD0000000, s2;
	s6 =	simm.s32 $0x108;
	_ =	swait.ge @!p0 [sflag:s8], $0x0  }
0x24: {  	s3 =	sadd.s32 $0x88, s3;
	s6 =	simm.s32 @!p1 $0x1082;
	[sflag:s4] =	ssyncset.s32 $0xFFFFF086  }
0x25: {  	[simem:s6], [sflag:s4] =	dma.local [hbm:s3], $0xF7A  }
0x26: {  	[smem:$0x3F9B] =	sst s1;
	(tag) =	ssettag s2;
	_ =	strace s9  }
0x27: {  	s1 =	sld [smem:$0x3FAB]  }
0x28: {  	s2 =	sld [smem:$0x3FAC]  }
0x29: {  	s4 =	sld [smem:$0x3FAE]  }
0x2a: {  	p0 =	seq.s32 s5, $0x0;
	s5 =	sld [smem:$0x3FAF]  }
0x2b: {  	s6 =	sld [smem:$0x3FB0]  }
0x2c: {  	s7 =	sld [smem:$0x3FB1]  }
0x2d: {  	s3 =	simm.s32 $0x108;
	s8 =	sld [smem:$0x3FB2]  }
0x2e: {  	s3 =	simm.s32 @!p0 $0x1082;
	s9 =	sld [smem:$0x3FB3]  }
0x2f: {  	lr =	sadd.s32 s0, s3;
	s0 =	sld [smem:$0x3FAA]  }
0x30: {  	s3 =	sld [smem:$0x3FAD]  }
0x31: {  	[smem:$0x3FB6] =	sst s10  }
0x32: {  	s10 =	sld [smem:$0x3FB4];
	_ =	sdelay $0x3  }
0x33: {  	p0 =	seq.s32 s10, $0x1;
	s10 =	sld [smem:$0x3FB6];
	_ =	sdelay $0x3  }
0x34: {  	[smem:$0x3FB6] =	sst s10  }
0x35: {  	s10 =	sld [smem:$0x3FB5];
	_ =	sdelay $0x3  }
0x36: {  	p1 =	seq.s32 s10, $0x1;
	s10 =	sld [smem:$0x3FB6];
	_ =	sdelay $0x3  }
0x37: {  	[smem:$0x3FB6] =	sst s10  }
0x38: {  	s10 =	sld [smem:$0x3FB7]  }
0x39: {  	_ = 	snop;
	(pc) =	sbr.ind lr, $3  }
0x3a: {  	_ = 	snop  }
0x3b: {  	_ = 	snop  }
0x3c: {  	p2 =	seq.s32 s10, $0x1;
	s10 =	sld [smem:$0x3FB6]  }
0x3d: {  	_ =	shalt  }
0x3e: {  	_ =	shalt  }
0x3f: {  	_ =	shalt  }
0x40: {  	_ =	shalt  }
0x41: {  	_ =	shalt  }
0x42: {  	_ =	shalt  }
0x43: {  	_ =	shalt  }
0x44: {  	_ =	shalt  }
0x45: {  	_ =	shalt  }
0x46: {  	_ =	shalt  }
0x47: {  	_ =	shalt  }
0x48: {  	_ =	shalt  }
0x49: {  	_ =	shalt  }
0x4a: {  	_ =	shalt  }
0x4b: {  	_ =	shalt  }
0x4c: {  	_ =	shalt  }
0x4d: {  	_ =	shalt  }
0x4e: {  	_ =	shalt  }
0x4f: {  	_ =	shalt  }
0x50: {  	_ =	shalt  }
0x51: {  	_ =	shalt  }
0x52: {  	_ =	shalt  }
0x53: {  	_ =	shalt  }
0x54: {  	_ =	shalt  }
0x55: {  	_ =	shalt  }
0x56: {  	_ =	shalt  }
0x57: {  	_ =	shalt  }
0x58: {  	_ =	shalt  }
0x59: {  	_ =	shalt  }
0x5a: {  	_ =	shalt  }
0x5b: {  	_ =	shalt  }
0x5c: {  	_ =	shalt  }
0x5d: {  	_ =	shalt  }
0x5e: {  	_ =	shalt  }
0x5f: {  	_ =	shalt  }
0x60: {  	_ =	shalt  }
0x61: {  	_ =	shalt  }
0x62: {  	_ =	shalt  }
0x63: {  	_ =	shalt  }
0x64: {  	_ =	shalt  }
0x65: {  	_ =	shalt  }
0x66: {  	_ =	shalt  }
0x67: {  	_ =	shalt  }
0x68: {  	_ =	shalt  }
0x69: {  	_ =	shalt  }
0x6a: {  	_ =	shalt  }
0x6b: {  	_ =	shalt  }
0x6c: {  	_ =	shalt  }
0x6d: {  	_ =	shalt  }
0x6e: {  	_ =	shalt  }
0x6f: {  	_ =	shalt  }
0x70: {  	_ =	shalt  }
0x71: {  	_ =	shalt  }
0x72: {  	_ =	shalt  }
0x73: {  	_ =	shalt  }
0x74: {  	_ =	shalt  }
0x75: {  	_ =	shalt  }
0x76: {  	_ =	shalt  }
0x77: {  	_ =	shalt  }
0x78: {  	_ =	shalt  }
0x79: {  	_ =	shalt  }
0x7a: {  	_ =	shalt  }
0x7b: {  	_ =	shalt  }
0x7c: {  	_ =	shalt  }
0x7d: {  	_ =	shalt  }
0x7e: {  	_ =	shalt  }
0x7f: {  	_ =	shalt  }
0x80: {  	_ =	shalt  }
0x81: {  	_ =	shalt  }
0x82: {  	_ =	shalt  }
0x83: {  	_ =	shalt  }
0x84: {  	_ =	shalt  }
0x85: {  	_ =	shalt  }
0x86: {  	_ =	shalt  }
0x87: {  	_ =	shalt  }
.Lfunc_end0:
.L_simem_size_0:
called_computation_lowered:
.L_overlay_start_0:
0x88: {  	s2 =	sld [smem:$0x3FD9]  }
0x89: {  	s3 =	sld [smem:$0x3FFE];
	_ =	sdelay $0x1  }
0x8a: {  	s1 =	srdreg.scid  }
0x8b: {  	s0 =	sand.u32 $0x1, s1  }
0x8c: {  	s17 =	sshll.u32 s0, $0xA;
	s2 =	sadd.s32 s3, s2  }
0x8d: {  	s2 =	sadd.s32 s2, s17  }
0x8e: {  	[smem:$0x3FC2] =	sst s2  }
0x8f: {  	_ = 	snop  }
0x90: {  	s2 =	sld [smem:$0x3FD0];
	(tm) =	ssettm $0x1  }
0x91: {  	s18 =	sld [smem:$0x3FFB];
	_ =	sdelay $0x3  }
0x92: {  	_ =	strace s18  }
0x93: {  	s3 =	sld [smem:$0x3FFC];
	_ =	sdelay $0x3  }
0x94: {  	_ =	strace s3  }
0x95: {  	s3 =	sld [smem:$0x3FFD];
	_ =	sdelay $0x3  }
0x96: {  	_ =	strace s3  }
0x97: {  	_ =	strace $0x8FFFFFFF  }
0x98: {  	s19 =	sld [smem:$0x3FDB];
	_ =	sdelay $0x1  }
0x99: {  	s4 =	simm.s32 $_scs_section_size  }
0x9a: {  	s5 =	simm.s32 $_size__tile_overlayer_lowered;
	s6 =	simm.s32 $_tile_overlayer_lowered  }
0x9b: {  	s22 =	simm.s32 $0x1BFF;
	s21 =	sshll.u32 s6, $0x1;
	s3 =	sadd.s32 s4, s19  }
0x9c: {  	s7 =	simm.s32 $0x0;
	s20 =	sshll.u32 s5, $0x1;
	s5 =	sadd.s32 s21, s3  }
0x9d: {  	[timem:s7], [sflag:s22] =	dma.local [hbm:s5], s20  }
0x9e: {  	_ =	swait.ge [sflag:s22], s20  }
0x9f: {  	s4 =	ssub.s32 $0x0, s20;
	[sflag:s22] =	ssyncset.done $0x0  }
0xa0: {  	[sflag:s22] =	ssyncadd.s32 s4;
	_ =	sdelay $0x1  }
0xa1: {  	s23 =	simm.s32 $0x1B8B  }
0xa2: {  	_ =	swait.ge [sflag:s23], $0x1  }
0xa3: {  	[sflag:s23] =	ssyncset.done $0x0  }
0xa4: {  	s25 =	simm.s32 $0x1B8E;
	s24 =	sld [smem:$0x3FFE];
	[sflag:s23] =	ssyncadd.s32 $0xFFFFFFFF  }
0xa5: {  	s26 =	simm.s32 $execute0_lowered;
	[smem:$0x3FD2] =	sst s25  }
0xa6: {  	s5 =	sshll.u32 s26, $0x1;
	_ =	strace $0x80000046;
	[dreg:$0x1] =	wrdreg $0xFFFFFFFF  }
0xa7: {  	s28 =	simm.s32 $_size_execute0_lowered;
	s3 =	sadd.s32 s3, s5;
	[dreg:$0x0] =	wrdreg $0x0  }
0xa8: {  	s5 =	sshll.u32 s28, $0x1;
	[dreg:$0x2] =	wrdreg s3  }
0xa9: {  	[dreg:$0x3] =	wrdreg s5  }
0xaa: {  	[dreg:$0x4] =	wrdreg $0xC0  }
0xab: {  	_ =	task [dreg:s7], $0x5FFFF  }
0xac: {  	[dreg:$0x1] =	wrdreg $0xFFFFFFFF  }
0xad: {  	[dreg:$0x0] =	wrdreg $0x60  }
0xae: {  	[dreg:$0x2] =	wrdreg s24  }
0xaf: {  	[dreg:$0x3] =	wrdreg s2  }
0xb0: {  	[dreg:$0x4] =	wrdreg $0x51800  }
0xb1: {  	[dreg:$0x5] =	wrdreg $0x9  }
0xb2: {  	_ =	task.clear_ibuf [dreg:s7], $0x6FFFF;
	_ =	strace $0x90000046  }
0xb3: {  	s29 =	simm.s32 $0x9;
	_ =	strace $0x80000048  }
0xb4: {  	_ =	swait.ge [sflag:s29], $0x1  }
0xb5: {  	[sflag:s29] =	ssyncadd.s32 $0xFFFFFFFF  }
0xb6: {  	_ =	strace $0x90000048  }
0xb7: {  	_ =	sfence  }
0xb8: {  	s30 =	sld [smem:$0x0];
	_ =	sdelay $0x2  }
0xb9: {  	s31 =	sshll.u32 s1, $0xD;
	s1 =	sshrl.u32 s1, $0x2  }
0xba: {  	s3 =	sand.u32 $0x4000, s31;
	s1 =	sadd.s32 s1, s30  }
0xbb: {  	s0 =	sor.u32 s3, s0;
	s1 =	sshll.u32 s1, $0x11  }
0xbc: {  	s0 =	sor.u32 s1, s0  }
0xbd: {  	s0 =	sadd.s32 $0x8F2B, s0  }
0xbe: {  	[sflag:s0] =	ssyncadd.remote.s32 $0x1  }
0xbf: {  	_ =	sfence.sel $0xFFFF  }
0xc0: {  	[dreg:$0x0] =	wrdreg $0xFFFFFFFF;
	(pc) =	sbr.abs _section_cstart, $3  }
0xc1: {  	[dreg:$0x1] =	wrdreg $0xFFFFFFFF  }
0xc2: {  	_ =	task.clear_ibuf [dreg:s7], $0x2FFFF;
	_ =	strace $0x9FFFFFFF  }
0xc3: {  	(tm) =	ssettm $0x7FFFFFFF  }
tec
execute0_lowered:
.L_overlay_start_1:
0x0: {  	(tag) =	ssettag $0x1  }
0x1: {  	s6 =	rddreg [dreg:$0x0]  }
0x2: {  	s9 =	rddreg [dreg:$0x1]  }
0x3: {  	s1 =	rddreg [dreg:$0x2]  }
0x4: {  	s0 =	rddreg [dreg:$0x3];
	s2 =	simm.s32 $0x0;
	s3 =	srdreg.scid  }
0x5: {  	s14 =	simm.s32 $0x4080;
	s15 =	simm.s32 $0x2;
	s17 =	simm.s32 $0x4000  }
0x6: {  	s18 =	simm.s32 $0x0;
	[smem:$0x7FF] =	sst s2;
	s4 =	sadd.s32 $0x4E00, s6  }
0x7: {  	s5 =	sadd.s32 $0x1600, s6;
	s12 =	sand.u32 $0x1, s3;
	s3 =	stileid.u32  }
0x8: {  	s6 =	sadd.s32 $0x4C00, s6;
	_ =	strace $0x80000047;
	s7 =	ssub.s32 $0x2, s12  }
0x9: {  	s8 =	sshll.u32 s12, $0x4;
	p0 =	seq.s32 s12, $0x0;
	s12 =	simm.s32 $0x1  }
.Ltmp0:
0xa: {  	s10 =	sshrl.u32 s7, $0x1;
	s8 =	sor.u32 s3, s8;
	(pc) =	sbr.rel .LBB2_1-.Ltmp0, $4  }
0xb: {  	s10 =	ssub.s32 s7, s10;
	s31 =	sshll.u32 s8, $0xC;
	s16 =	sor.u32 $0x400, s8  }
0xc: {  	s13 =	sshll.u32 s8, $0x9;
	s7 =	sadd.s32 s31, s1;
	s11 =	sshll.u32 s16, $0x7  }
0xd: {  	v0 =	vlaneseq.u32;
	v3 =	vmov s3;
	s9 =	sadd.s32 s9, s13;
	s10 =	smax.u32 s10, $0x1;
	s13 =	simm.s32 $0x4100  }
0xe: {  	v2 =	vimm.f32 $0.0e+00;
	vm0 =	veq.s32 v3, v0;
	v1 =	vmov s16;
	s16 =	simm.s32 $0x80;
	s8 =	sadd.s32 s11, s1;
	s11 =	simm.s32 $0x5100  }
.LBB2_8:
0xf: {  	s18 =	sadd.s32 $0x1, s18  }
0x10: {  	s19 =	sshll.u32 s3, $0x6;
	p1 =	sne.s32 s18, s10  }
.Ltmp1:
0x11: {  	s20 =	sshrl.u32 s7, $0x3;
	s19 =	sor.u32 $0x1C01, s19;
	(pc) =	sbr.rel @!p1 .LBB2_9-.Ltmp1, $4  }
0x12: {  	[hbm:s9], [sflag:s19] =	dma.local [spmem:s20], $0x200  }
0x13: {  	_ =	swait.ge [sflag:s12], $0x200  }
0x14: {  	[sflag:s12] =	ssyncset.done $0x0  }
0x15: {  	[sflag:s12] =	ssyncadd.s32 $0xFFFFFE00  }
.LBB2_1:
0x16: {  	[tilespmem:s11], [sflag:$0x1] =	stream.linear.gather [hbm4b:s6+s2], $0x80, $0x38;
	[tilespmem:$0x7280] =	vst v63  }
0x17: {  	s19 =	simm.s32 $0x0;
	s20 =	simm.s32 $0x200  }
.LBB2_2:
0x18: {  	p1 =	sne.s32 s20, $0x3E00;
	[tilespmem:s19+$0x4170] =	vst v2  }
0x19: {  	[tilespmem:s19+$0x4100] =	vst v2  }
0x1a: {  	[tilespmem:s19+$0x4110] =	vst v2  }
.Ltmp2:
0x1b: {  	[tilespmem:s19+$0x4120] =	vst v2;
	(pc) =	sbr.rel @p1 .LBB2_2-.Ltmp2, $4  }
0x1c: {  	[tilespmem:s19+$0x4130] =	vst v2  }
0x1d: {  	[tilespmem:s19+$0x4140] =	vst v2  }
0x1e: {  	[tilespmem:s19+$0x4150] =	vst v2  }
0x1f: {  	[tilespmem:s19+$0x4160] =	vst v2;
	s19 =	sshra.s32 s20, $0x2;
	s20 =	sadd.s32 $0x200, s20  }
0x20: {  	[tilespmem:s19+$0x4170] =	vst v2  }
0x21: {  	[tilespmem:s19+$0x4100] =	vst v2  }
0x22: {  	[tilespmem:s19+$0x4110] =	vst v2  }
0x23: {  	[tilespmem:s19+$0x4120] =	vst v2  }
0x24: {  	[tilespmem:s19+$0x4130] =	vst v2  }
0x25: {  	[tilespmem:s19+$0x4140] =	vst v2  }
0x26: {  	[tilespmem:s19+$0x4150] =	vst v2  }
0x27: {  	[tilespmem:s19+$0x4160] =	vst v2  }
0x28: {  	_ =	swait.ge [sflag:s12], $0x80  }
0x29: {  	[sflag:s12] =	ssyncset.done $0x0  }
0x2a: {  	[sflag:s12] =	ssyncadd.s32 $0xFFFFFF80  }
0x2b: {  	v3 =	vld [tilespmem:$0x5100]  }
0x2c: {  	v4 =	vld [tilespmem:$0x5110]  }
0x2d: {  	v5 =	vld [tilespmem:$0x5120]  }
0x2e: {  	v6 =	vld [tilespmem:$0x5130];
	_ =	sdelay $0x1  }
0x2f: {  	v3 =	vnsel vm0, $0x0, v3  }
0x30: {  	(xrf0) =	vadd.scan.msk.s32 $0xffff, v3;
	v3 =	vnsel vm0, $0x0, v4  }
0x31: {  	(xrf0) =	vadd.scan.msk.s32 $0xffff, v3;
	v3 =	vnsel vm0, $0x0, v5  }
0x32: {  	(xrf0) =	vadd.scan.msk.s32 $0xffff, v3;
	v3 =	vnsel vm0, $0x0, v6  }
0x33: {  	(xrf0) =	vadd.scan.msk.s32 $0xffff, v3;
	_ =	sdelay $0x2  }
0x34: {  	v3, _, _ =	vpop (xrf0)  }
0x35: {  	v63, _, _ =	vpop (xrf0);
	(v2sf) =	vpush v3, $0xF  }
0x36: {  	v3, _, _ =	vpop (xrf0);
	(v2sf) =	vpush v63, $0xF  }
0x37: {  	(v2sf) =	vpush v3, $0xF;
	v3, _, _ =	vpop (xrf0)  }
0x38: {  	(v2sf) =	vpush v3, $0xF;
	_ =	sdelay $0xa  }
0x39: {  	[spmem:s7] =	stream.linear.scatter [tilespmem:s13], [sflag:$0x1], $0x1000, $0x38;
	[tilespmem:$0x7280] =	vst v63  }
0x3a: {  	s19 =	spop (v2sf)  }
0x3b: {  	s21 =	spop (v2sf)  }
0x3c: {  	s20 =	spop (v2sf)  }
0x3d: {  	s21 =	smov.u32 @p0 s19;
	s22 =	spop (v2sf)  }
0x3e: {  	s19 =	sand.u32 $0xFFFFFF80, s21;
	s22 =	smov.u32 @p0 s20  }
0x3f: {  	s20 =	ssub.s32 s22, s19  }
0x40: {  	s20 =	sadd.s32 $0x7F, s20  }
0x41: {  	s24 =	sand.u32 $0x7F, s20  }
0x42: {  	s23 =	sshra.s32 s20, $0x1F;
	p2 =	slt.s32 s20, $0x1;
	p1 =	sne.s32 s24, $0x0  }
0x43: {  	s23 =	sshrl.u32 s23, $0x19;
	p1 =	por !p2, !p1  }
0x44: {  	s20 =	sadd.s32 s23, s20;
	s23 =	simm.s32 $0x1;
	p1 =	por !p1, !p1  }
0x45: {  	s20 =	sshra.s32 s20, $0x7;
	s23 =	simm.s32 @!p1 $0x0  }
0x46: {  	_ =	swait.ge [sflag:s12], $0x1000;
	s20 =	ssub.s32 s20, s23  }
0x47: {  	[sflag:s12] =	ssyncset.done $0x0;
	p1 =	slt.s32 s20, $0x1  }
.Ltmp3:
0x48: {  	[sflag:s12] =	ssyncadd.s32 $0xFFFFF000;
	(pc) =	sbr.rel @p1 .LBB2_8-.Ltmp3, $4  }
0x49: {  	[spmem:s8] =	stream.linear.scatter [tilespmem:s13], [sflag:$0x1], $0x80, $0x38;
	[tilespmem:$0x7280] =	vst v63  }
0x4a: {  	_ =	swait.ge [sflag:s12], $0x80  }
0x4b: {  	[sflag:s12] =	ssyncset.done $0x0  }
0x4c: {  	[sflag:s12] =	ssyncadd.s32 $0xFFFFFF80  }
0x4d: {  	v3 =	vmov s21;
	v4 =	vmov s22;
	s21 =	simm.s32 $0x0;
	s22 =	smov.u32 s19;
	s23 =	simm.s32 $0x0  }
.LBB2_5:
0x4e: {  	s24 =	sshll.u32 s23, $0x7  }
0x4f: {  	s24 =	sadd.s32 s19, s24  }
0x50: {  	s25 =	sshll.u32 s24, $0x4  }
0x51: {  	s24 =	sshrl.u32 s24, $0x3;
	s25 =	sadd.s32 s4, s25  }
0x52: {  	[tilespmem:s21], [sflag:$0x1] =	stream.linear.gather [hbm4b:s25+s21], $0x4000, $0x38;
	[tilespmem:$0x7280] =	vst v63  }
0x53: {  	s24 =	sadd.s32 s5, s24  }
0x54: {  	[tilespmem:s14], [sflag:$0x2] =	stream.linear.gather [hbm4b:s24+s21], $0x80, $0x38;
	[tilespmem:$0x7280] =	vst v63  }
0x55: {  	_ =	swait.ge [sflag:s12], $0x4000  }
0x56: {  	[sflag:s12] =	ssyncset.done $0x0  }
0x57: {  	[sflag:s12] =	ssyncadd.s32 $0xFFFFC000  }
0x58: {  	_ =	swait.ge [sflag:s15], $0x80  }
0x59: {  	[sflag:s15] =	ssyncset.done $0x0  }
0x5a: {  	v5 =	vor.u32 s22, v0;
	s24 =	simm.s32 $0x0;
	[sflag:s15] =	ssyncadd.s32 $0xFFFFFF80  }
0x5b: {  	vm1 =	vge.s32 v5, v3;
	vm2 =	vlt.s32 v5, v4;
	v5 =	vld [tilespmem:s24+$0x4080];
	_ =	sdelay $0x3  }
0x5c: {  	s26 =	smov.u32 s22;
	vm1 =	vmand vm1, vm2;
	s25 =	simm.s32 $0x40  }
.LBB2_6:
0x5d: {  	s28 =	sshra.s32 s25, $0x2;
	p1 =	sne.s32 s25, $0x1C0;
	s25 =	sadd.s32 $0x40, s25;
	v6 =	vsel vm1, v5, v1  }
.Ltmp4:
0x5e: {  	v5 =	vld [tilespmem:s28+$0x4080];
	[tilespmem:s24+$0x4000] =	vst v6;
	s24 =	smov.u32 s28;
	(pc) =	sbr.rel @p1 .LBB2_6-.Ltmp4, $4  }
0x5f: {  	s26 =	sadd.s32 $0x10, s26  }
0x60: {  	v6 =	vor.u32 s26, v0  }
0x61: {  	vm1 =	vge.s32 v6, v3;
	vm2 =	vlt.s32 v6, v4  }
0x62: {  	vm1 =	vmand vm1, vm2  }
0x63: {  	v5 =	vsel vm1, v5, v1;
	s23 =	sadd.s32 $0x1, s23  }
0x64: {  	[tilespmem:s24+$0x4000] =	vst v5;
	p1 =	sne.s32 s23, s20  }
0x65: {  	[spmem:s1] =	stream.indirect.scatter.add.f32 [tilespmem:s2], [sflag:$0x1], $0x80, s17, s16, $0xb8;
	[tilespmem:$0x7280] =	vst v63  }
.Ltmp5:
0x66: {  	_ = 	snop;
	(pc) =	sbr.rel @p1 .LBB2_5-.Ltmp5, $4  }
.Ltmp6:
0x67: {  	_ = 	snop;
	(pc) =	sbr.rel @!p1 .LBB2_8-.Ltmp6, $4  }
0x68: {  	_ =	swait.ge [sflag:s12], $0x4000  }
0x69: {  	[sflag:s12] =	ssyncset.done $0x0  }
0x6a: {  	s22 =	sadd.s32 $0x80, s22;
	[sflag:s12] =	ssyncadd.s32 $0xFFFFC000  }
0x6b: {  	_ = 	snop  }
.LBB2_9:
0x6c: {  	_ =	sfence.sel $0x180000  }
0x6d: {  	[bflag:$0x0] =	sbarrier.arrive $0xFFFF  }
0x6e: {  	p0 =	sne.s32 s3, $0x0;
	_ =	strace $0x90000047  }
0x6f: {  	s0 =	sadd.s32 @!p0 $0x100000, s0;
	[bflag:$0x2] =	sbarrier.arrive $0xFFFF  }
0x70: {  	[sflag:s0] =	ssyncadd.tile.s32 @!p0 $0x1;
	_ =	shalt  }
.Lfunc_end2:
_tile_overlayer_lowered:
.L_overlay_start_2:
0x71: {  	(tag) =	ssettag $0x2  }
0x72: {  	s0 =	rddreg [dreg:$0x0];
	s2 =	stileid.u32  }
0x73: {  	s1 =	rddreg [dreg:$0x1];
	p0 =	sne.s32 s2, $0x0  }
0x74: {  	s3 =	rddreg [dreg:$0x2];
	[bflag:$0x3] =	sbarrier.arrive $0xFFFF;
	s2 =	simm.s32 @!p0 $0x1C03  }
0x75: {  	[timem:s3], [sflag:s2] =	dma.local @!p0 [hbm:s0], s1  }
0x76: {  	s0 =	simm.s32 @!p0 $0x3  }
0x77: {  	_ =	swait.ge @!p0 [sflag:s0], s1  }
0x78: {  	s1 =	ssub.s32 @!p0 $0x0, s1;
	[sflag:s0] =	ssyncset.done @!p0 $0x0  }
0x79: {  	[sflag:s0] =	ssyncadd.s32 @!p0 s1  }
0x7a: {  	[bflag:$0x3] =	sbarrier.arrive $0xFFFF  }
0x7b: {  	_ =	shalt  }

</sc_bundles>
